<compile_context>
chip_gen: v7x
topology: tpu7x:2x2x1
jax: 0.10.2.dev20260603
libtpu: 0.0.44.dev20260713+nightly
codegen_flags: <defaults>
</compile_context>

<pallas_src>
import functools

import jax
import jax.numpy as jnp
from jax import lax
from jax.experimental import pallas as pl
from jax.experimental.pallas import tpu as pltpu
from jax.experimental.pallas import tpu_sc as plsc

H = 128
_EB = 8000
_NB = 2000
_NC = 2
_NS = 16
_NW = _NC * _NS
_NP = 10240


def _slog(x):
    return jnp.sign(x) * jnp.log1p(jnp.abs(x))


def _silu(x):
    return x * jax.nn.sigmoid(x)


def _pre_body(h_ref, smr_ref, w1s_ref, w1d_ref, ws_ref, wd_ref, wp_ref,
              asrc_ref, adst_ref, pre_ref):
    h = h_ref[...]
    smr = smr_ref[...]
    sl = _slog(smr[:, 0:4])
    f = jnp.concatenate([sl, smr[:, 4:16]], axis=-1)
    asrc_ref[...] = (jnp.dot(h, w1s_ref[...], preferred_element_type=jnp.float32)
                     + jnp.dot(f, ws_ref[...], preferred_element_type=jnp.float32))
    adst_ref[...] = (jnp.dot(h, w1d_ref[...], preferred_element_type=jnp.float32)
                     + jnp.dot(f, wd_ref[...], preferred_element_type=jnp.float32))
    pre_ref[...] = jnp.dot(f, wp_ref[...], preferred_element_type=jnp.float32)


def _pre_kernel(h, smr, w1s, w1d, ws, wd, wp):
    N = h.shape[0]
    grid = N // _NB
    row = lambda i: (i, 0)
    full = lambda i: (0, 0)
    out = jax.ShapeDtypeStruct((N, H), jnp.float32)
    return pl.pallas_call(
        _pre_body,
        grid=(grid,),
        in_specs=[
            pl.BlockSpec((_NB, H), row),
            pl.BlockSpec((_NB, 16), row),
            pl.BlockSpec((H, H), full),
            pl.BlockSpec((H, H), full),
            pl.BlockSpec((16, H), full),
            pl.BlockSpec((16, H), full),
            pl.BlockSpec((16, H), full),
        ],
        out_specs=[pl.BlockSpec((_NB, H), row)] * 3,
        out_shape=[out, out, out],
    )(h, smr, w1s, w1d, ws, wd, wp)


def _make_staged_gather(E, width, gc, untiled, dtype=jnp.float32):
    ew = E // _NS
    nb = ew // gc
    npairs = nb // 2
    has_tail = (nb % 2) == 1
    rows_per_tile = _NP // _NS
    mesh = plsc.VectorSubcoreMesh(core_axis_name="c", subcore_axis_name="s")
    kw = {}
    if untiled:
        kw["compiler_params"] = pltpu.CompilerParams(use_tc_tiling_on_sc=False)

    @functools.partial(
        pl.kernel,
        out_type=[
            jax.ShapeDtypeStruct((E, width), dtype),
            jax.ShapeDtypeStruct((E, width), dtype),
        ],
        mesh=mesh,
        scratch_types=(
            [pltpu.VMEM((gc,), jnp.int32)] * 2
            + [pltpu.VMEM((gc, width), dtype)] * 2
            + [pltpu.VMEM_SHARED((_NP, width), dtype)]
            + [pltpu.SemaphoreType.DMA] * 2
        ),
        **kw,
    )
    def gk(src_h, dst_h, ta_h, tb_h, ga_h, gb_h,
           ia0, ia1, ra0, ra1, ts_s, sa0, sa1):
        core = lax.axis_index("c")
        sid = lax.axis_index("s")
        rbase = sid * rows_per_tile
        base = sid * ew

        @pl.when(core == 0)
        def _():
            pltpu.sync_copy(ta_h.at[pl.ds(rbase, rows_per_tile)],
                            ts_s.at[pl.ds(rbase, rows_per_tile)])

        @pl.when(core == 1)
        def _():
            pltpu.sync_copy(tb_h.at[pl.ds(rbase, rows_per_tile)],
                            ts_s.at[pl.ds(rbase, rows_per_tile)])

        plsc.subcore_barrier()

        def run(idx_h, o_h):
            pltpu.sync_copy(idx_h.at[pl.ds(base, gc)], ia0)
            pltpu.async_copy(ts_s.at[ia0], ra0, sa0)

            def pair(j, _):
                c0 = base + (2 * j) * gc
                c1 = c0 + gc
                pltpu.sync_copy(idx_h.at[pl.ds(c1, gc)], ia1)
                pltpu.async_copy(ts_s.at[ia1], ra1, sa1)
                pltpu.make_async_copy(ts_s.at[ia0], ra0, sa0).wait()
                pltpu.sync_copy(ra0, o_h.at[pl.ds(c0, gc)])

                @pl.when(2 * j + 2 < nb)
                def _():
                    c2 = c1 + gc
                    pltpu.sync_copy(idx_h.at[pl.ds(c2, gc)], ia0)
                    pltpu.async_copy(ts_s.at[ia0], ra0, sa0)

                pltpu.make_async_copy(ts_s.at[ia1], ra1, sa1).wait()
                pltpu.sync_copy(ra1, o_h.at[pl.ds(c1, gc)])
                return 0

            lax.fori_loop(0, npairs, pair, 0)

            if has_tail:
                ct = base + (nb - 1) * gc
                pltpu.make_async_copy(ts_s.at[ia0], ra0, sa0).wait()
                pltpu.sync_copy(ra0, o_h.at[pl.ds(ct, gc)])

        @pl.when(core == 0)
        def _():
            run(src_h, ga_h)

        @pl.when(core == 1)
        def _():
            run(dst_h, gb_h)

    return gk


def _make_staged_sig_gather(E, width, gc):
    ew = E // _NW
    nb = ew // gc
    npairs = nb // 2
    has_tail = (nb % 2) == 1
    rows_per_tile = _NP // _NS
    mesh = plsc.VectorSubcoreMesh(core_axis_name="c", subcore_axis_name="s")

    @functools.partial(
        pl.kernel,
        out_type=[
            jax.ShapeDtypeStruct((E, width), jnp.float32),
            jax.ShapeDtypeStruct((E, width), jnp.float32),
        ],
        mesh=mesh,
        scratch_types=(
            [pltpu.VMEM((gc,), jnp.int32)] * 4
            + [pltpu.VMEM((gc, width), jnp.float32)] * 4
            + [pltpu.VMEM_SHARED((_NP, width), jnp.float32)]
            + [pltpu.SemaphoreType.DMA] * 4
        ),
        compiler_params=pltpu.CompilerParams(use_tc_tiling_on_sc=False),
    )
    def gk(src_h, dst_h, sg_h, ss_h, sd_h,
           ia0, ia1, id0, id1, ra0, ra1, rb0, rb1, ts_s, sa0, sa1, sb0, sb1):
        core = lax.axis_index("c")
        sid = lax.axis_index("s")
        wid = sid * _NC + core
        rbase = sid * rows_per_tile
        pltpu.sync_copy(sg_h.at[pl.ds(rbase, rows_per_tile)],
                        ts_s.at[pl.ds(rbase, rows_per_tile)])
        plsc.subcore_barrier()
        base = wid * ew

        pltpu.sync_copy(src_h.at[pl.ds(base, gc)], ia0)
        pltpu.sync_copy(dst_h.at[pl.ds(base, gc)], id0)
        pltpu.async_copy(ts_s.at[ia0], ra0, sa0)
        pltpu.async_copy(ts_s.at[id0], rb0, sb0)

        def pair(j, _):
            c0 = base + (2 * j) * gc
            c1 = c0 + gc
            pltpu.sync_copy(src_h.at[pl.ds(c1, gc)], ia1)
            pltpu.sync_copy(dst_h.at[pl.ds(c1, gc)], id1)
            pltpu.async_copy(ts_s.at[ia1], ra1, sa1)
            pltpu.async_copy(ts_s.at[id1], rb1, sb1)
            pltpu.make_async_copy(ts_s.at[ia0], ra0, sa0).wait()
            pltpu.sync_copy(ra0, ss_h.at[pl.ds(c0, gc)])
            pltpu.make_async_copy(ts_s.at[id0], rb0, sb0).wait()
            pltpu.sync_copy(rb0, sd_h.at[pl.ds(c0, gc)])

            @pl.when(2 * j + 2 < nb)
            def _():
                c2 = c1 + gc
                pltpu.sync_copy(src_h.at[pl.ds(c2, gc)], ia0)
                pltpu.sync_copy(dst_h.at[pl.ds(c2, gc)], id0)
                pltpu.async_copy(ts_s.at[ia0], ra0, sa0)
                pltpu.async_copy(ts_s.at[id0], rb0, sb0)

            pltpu.make_async_copy(ts_s.at[ia1], ra1, sa1).wait()
            pltpu.sync_copy(ra1, ss_h.at[pl.ds(c1, gc)])
            pltpu.make_async_copy(ts_s.at[id1], rb1, sb1).wait()
            pltpu.sync_copy(rb1, sd_h.at[pl.ds(c1, gc)])
            return 0

        lax.fori_loop(0, npairs, pair, 0)

        if has_tail:
            ct = base + (nb - 1) * gc
            pltpu.make_async_copy(ts_s.at[ia0], ra0, sa0).wait()
            pltpu.sync_copy(ra0, ss_h.at[pl.ds(ct, gc)])
            pltpu.make_async_copy(ts_s.at[id0], rb0, sb0).wait()
            pltpu.sync_copy(rb0, sd_h.at[pl.ds(ct, gc)])

    return gk


def _make_scatter(E, sc_chunk):
    half = E // _NC
    ew = half // _NS
    nb = ew // sc_chunk
    rows_per_tile = _NP // _NS
    mesh = plsc.VectorSubcoreMesh(core_axis_name="c", subcore_axis_name="s")

    npairs = nb // 2
    has_tail = (nb % 2) == 1

    @functools.partial(
        pl.kernel,
        out_type=jax.ShapeDtypeStruct((_NC, _NP, H), jnp.float32),
        mesh=mesh,
        scratch_types=(
            [pltpu.VMEM((sc_chunk,), jnp.int32)] * 2
            + [pltpu.VMEM((sc_chunk, H), jnp.float32)] * 2
            + [pltpu.VMEM_SHARED((_NP, H), jnp.float32)]
            + [pltpu.SemaphoreType.DMA] * 2
        ),
    )
    def sk(m_h, dst_h, z_h, out_h, i0, i1, r0, r1, agg_s, s0, s1):
        core = lax.axis_index("c")
        sid = lax.axis_index("s")
        rbase = sid * rows_per_tile
        pltpu.sync_copy(z_h.at[pl.ds(rbase, rows_per_tile)],
                        agg_s.at[pl.ds(rbase, rows_per_tile)])
        plsc.subcore_barrier()
        base = core * half + sid * ew

        pltpu.sync_copy(dst_h.at[pl.ds(base, sc_chunk)], i0)
        pltpu.async_copy(m_h.at[pl.ds(base, sc_chunk)], r0, s0)

        def pair(j, _):
            c0 = base + (2 * j) * sc_chunk
            c1 = c0 + sc_chunk
            pltpu.sync_copy(dst_h.at[pl.ds(c1, sc_chunk)], i1)
            pltpu.async_copy(m_h.at[pl.ds(c1, sc_chunk)], r1, s1)
            pltpu.make_async_copy(m_h.at[pl.ds(c0, sc_chunk)], r0, s0).wait()
            pltpu.sync_copy(r0, agg_s.at[i0], add=True)

            @pl.when(2 * j + 2 < nb)
            def _():
                c2 = c1 + sc_chunk
                pltpu.sync_copy(dst_h.at[pl.ds(c2, sc_chunk)], i0)
                pltpu.async_copy(m_h.at[pl.ds(c2, sc_chunk)], r0, s0)

            pltpu.make_async_copy(m_h.at[pl.ds(c1, sc_chunk)], r1, s1).wait()
            pltpu.sync_copy(r1, agg_s.at[i1], add=True)
            return 0

        lax.fori_loop(0, npairs, pair, 0)

        if has_tail:
            ct = base + (nb - 1) * sc_chunk
            pltpu.make_async_copy(m_h.at[pl.ds(ct, sc_chunk)], r0, s0).wait()
            pltpu.sync_copy(r0, agg_s.at[i0], add=True)

        plsc.subcore_barrier()
        pltpu.sync_copy(agg_s.at[pl.ds(rbase, rows_per_tile)],
                        out_h.at[core, pl.ds(rbase, rows_per_tile)])

    return sk


def _edge_body(ga_ref, gb_ref, ss_ref, sd_ref, oh_ref, w8_ref,
               ew2_ref, eb2_ref, out_ref):
    ss2 = ss_ref[...]
    sd2 = sd_ref[...]
    R = ss2.shape[0]
    lk = lax.broadcasted_iota(jnp.int32, (R, 128), 1) & 15
    sm2 = ss2 + sd2
    df2 = sd2 - ss2
    ad2 = jnp.abs(df2)
    p2 = ss2 * sd2
    q2 = df2 * df2
    r2 = ss2 * ss2
    t2 = sd2 * sd2
    pp = jnp.where(lk < 4, p2,
                   jnp.where(lk < 8, pltpu.roll(q2, 4, 1),
                             jnp.where(lk < 12, pltpu.roll(r2, 8, 1),
                                       pltpu.roll(t2, 12, 1))))
    t_ = pp + pltpu.roll(pp, 127, 1)
    s4 = t_ + pltpu.roll(t_, 126, 1)
    packed = jnp.where(
        lk < 4, sm2,
        jnp.where(lk == 4, pltpu.roll(s4, 4, 1),
                  jnp.where(lk == 5, pltpu.roll(s4, 1, 1),
                            jnp.where(lk == 6, pltpu.roll(s4, 126, 1),
                                      jnp.where(lk == 7, pltpu.roll(s4, 123, 1),
                                                pltpu.roll(ad2, 8, 1))))))
    fp = _slog(packed)
    ft = jnp.concatenate([fp, oh_ref[...]], axis=1)
    u = jnp.dot(ft, w8_ref[...], preferred_element_type=jnp.float32)
    c = u.reshape(R, 8, H).reshape(R * 8, H)
    x = ga_ref[...] + gb_ref[...] + c
    a = _silu(x)
    out_ref[...] = _silu(
        jnp.dot(a, ew2_ref[...], preferred_element_type=jnp.float32)
        + eb2_ref[...])


def _edge_mlp(ga, gb, ss2, sd2, ohp, w8, ew2, eb2):
    E = ga.shape[0]
    grid = E // _EB
    rb = _EB // 8
    row = lambda i: (i, 0)
    full = lambda i: (0, 0)
    return pl.pallas_call(
        _edge_body,
        grid=(grid,),
        in_specs=[
            pl.BlockSpec((_EB, H), row),
            pl.BlockSpec((_EB, H), row),
            pl.BlockSpec((rb, H), row),
            pl.BlockSpec((rb, H), row),
            pl.BlockSpec((rb, H), row),
            pl.BlockSpec((256, 8 * H), lambda i: (0, 0)),
            pl.BlockSpec((H, H), full),
            pl.BlockSpec((1, H), full),
        ],
        out_specs=pl.BlockSpec((_EB, H), row),
        out_shape=jax.ShapeDtypeStruct((E, H), jnp.float32),
    )(ga, gb, ss2, sd2, ohp, w8, ew2, eb2.reshape(1, H))


def _node_body(h_ref, p0_ref, p1_ref, pre_ref, w1h_ref,
               w1a_ref, w2_ref, nb2_ref, g_ref, b_ref, out_ref):
    agg = p0_ref[0] + p1_ref[0]
    x = _silu(jnp.dot(h_ref[...], w1h_ref[...],
                      preferred_element_type=jnp.float32)
              + jnp.dot(agg, w1a_ref[...], preferred_element_type=jnp.float32)
              + pre_ref[...])
    y = h_ref[...] + jnp.dot(x, w2_ref[...],
                             preferred_element_type=jnp.float32) + nb2_ref[...]
    mu = jnp.mean(y, -1, keepdims=True)
    yc = y - mu
    var = jnp.mean(yc * yc, -1, keepdims=True)
    out_ref[...] = yc * jax.lax.rsqrt(var + 1e-5) * g_ref[...] + b_ref[...]


def _node_mlp(h, parts, pre, w1h, w1a, w2, nb2, g, b):
    N = h.shape[0]
    grid = N // _NB
    full = lambda i: (0, 0)
    row = lambda i: (i, 0)
    c0 = lambda i: (0, i, 0)
    c1 = lambda i: (1, i, 0)
    return pl.pallas_call(
        _node_body,
        grid=(grid,),
        in_specs=[
            pl.BlockSpec((_NB, H), row),
            pl.BlockSpec((1, _NB, H), c0),
            pl.BlockSpec((1, _NB, H), c1),
            pl.BlockSpec((_NB, H), row),
            pl.BlockSpec((H, H), full),
            pl.BlockSpec((H, H), full),
            pl.BlockSpec((H, H), full),
            pl.BlockSpec((1, H), full),
            pl.BlockSpec((1, H), full),
            pl.BlockSpec((1, H), full),
        ],
        out_specs=pl.BlockSpec((_NB, H), row),
        out_shape=jax.ShapeDtypeStruct((N, H), jnp.float32),
    )(h, parts, parts, pre, w1h, w1a, w2,
      nb2.reshape(1, H), g.reshape(1, H), b.reshape(1, H))


def kernel(h, edge_index, edge_relation, node_momentum_signature, node_role,
           node_mass_features, edge_channel, rel_emb, role_emb, channel_emb,
           eW1, eb1, eW2, eb2, nW1, nb1, nW2, nb2, ln_g, ln_b):
    N = h.shape[0]
    E = edge_index.shape[1]
    sig = node_momentum_signature
    mass = node_mass_features
    src, dst = edge_index[0], edge_index[1]

    roh = jax.nn.one_hot(node_role, 6, dtype=jnp.float32)
    smr = jnp.concatenate(
        [sig, mass, roh, jnp.ones((N, 1), jnp.float32),
         jnp.zeros((N, 3), jnp.float32)], axis=-1)
    zpad = jnp.zeros((4, H), jnp.float32)
    ws = jnp.concatenate([eW1[256:260], eW1[276:278],
                          role_emb @ eW1[296:304], zpad], axis=0)
    wd = jnp.concatenate([eW1[260:264], eW1[278:280],
                          role_emb @ eW1[304:312], zpad], axis=0)
    wp = jnp.concatenate([nW1[256:260], nW1[260:262],
                          role_emb @ nW1[262:270], nb1.reshape(1, H),
                          jnp.zeros((3, H), jnp.float32)], axis=0)
    RelP = rel_emb @ eW1[280:296] + eb1
    ChP = channel_emb @ eW1[312:320]
    w16f = jnp.concatenate([eW1[264:268], eW1[272:276], eW1[268:272], zpad],
                           axis=0)
    w16o = jnp.concatenate([RelP, ChP, zpad], axis=0)
    w8 = jnp.concatenate([
        jnp.concatenate([
            jnp.pad(w16f, ((16 * t, 112 - 16 * t), (0, 0))),
            jnp.pad(w16o, ((16 * t, 112 - 16 * t), (0, 0)))], axis=0)
        for t in range(8)], axis=1)
    sigp = jnp.concatenate([sig, jnp.zeros((N, 12), jnp.float32)], axis=-1)
    kk = jnp.arange(16)
    ohp = ((edge_relation.reshape(E // 8, 8, 1) == kk)
           | (edge_channel.reshape(E // 8, 8, 1) == kk - 8)
           ).astype(jnp.float32).reshape(E // 8, 128)
    zrows = jnp.zeros((_NP, H), jnp.float32)

    asrc, adst, pre = _pre_kernel(h, smr, eW1[0:128], eW1[128:256], ws, wd, wp)

    npad = ((0, _NP - N), (0, 0))
    gather_rows = _make_staged_gather(E, H, 160, untiled=False)
    gather_sigs = _make_staged_sig_gather(E, 16, 1000)
    ga, gb = gather_rows(src, dst, jnp.pad(asrc, npad), jnp.pad(adst, npad))
    ss, sd = gather_sigs(src, dst, jnp.pad(sigp, npad))
    ss2 = ss.reshape(E // 8, 128)
    sd2 = sd.reshape(E // 8, 128)

    m = _edge_mlp(ga, gb, ss2, sd2, ohp, w8, eW2, eb2)

    scatter = _make_scatter(E, 80)
    parts = scatter(m, dst, zrows)

    return _node_mlp(h, parts, pre, nW1[0:128],
                     nW1[128:256], nW2, nb2, ln_g, ln_b)

# --- scband reference (transcript-rebuilt; emitter-appended) ---
"""Pipeline reference for scband-static-kinematic-layer-47141561040942 (READ-ONLY COPY).

The authoritative reference and input builder live on the scoring server;
editing this copy changes nothing except your own understanding.
"""

import jax, jax.numpy as jnp
import numpy as np


def signed_log1p(x):
    return jnp.sign(x) * jnp.log1p(jnp.abs(x))


def setup_inputs(seed: int = 0) -> dict:
    N = 10000; E = 320000; H = 128
    R = 8; ROLES = 6; CH = 4; RD = 16; OD = 8; CD = 8
    edge_in = H * 2 + 4 * 4 + 4 + 2 * 2 + RD + 2 * OD + CD  # 320
    node_in = H * 2 + 4 + 2 + OD  # 270
    key = jax.random.key(seed)
    ks = jax.random.split(key, 24)
    inp = {}
    inp['h'] = jax.random.normal(ks[0], (N, H), jnp.float32)
    inp['edge_index'] = jax.random.randint(ks[1], (2, E), 0, N, dtype=jnp.int32)
    inp['edge_relation'] = jax.random.randint(ks[2], (E,), 0, R, dtype=jnp.int32)
    inp['node_momentum_signature'] = jax.random.normal(ks[3], (N, 4), jnp.float32)
    inp['node_role'] = jax.random.randint(ks[4], (N,), 0, ROLES, dtype=jnp.int32)
    inp['node_mass_features'] = jax.random.normal(ks[5], (N, 2), jnp.float32)
    inp['edge_channel'] = jax.random.randint(ks[6], (E,), 0, CH, dtype=jnp.int32)
    inp['rel_emb'] = jax.random.normal(ks[7], (R, RD), jnp.float32) * 0.05
    inp['role_emb'] = jax.random.normal(ks[8], (ROLES, OD), jnp.float32) * 0.05
    inp['channel_emb'] = jax.random.normal(ks[9], (CH, CD), jnp.float32) * 0.05
    inp['eW1'] = jax.random.normal(ks[10], (edge_in, H), jnp.float32) * 0.05
    inp['eb1'] = jnp.zeros((H,), jnp.float32)
    inp['eW2'] = jax.random.normal(ks[11], (H, H), jnp.float32) * 0.05
    inp['eb2'] = jnp.zeros((H,), jnp.float32)
    inp['nW1'] = jax.random.normal(ks[12], (node_in, H), jnp.float32) * 0.05
    inp['nb1'] = jnp.zeros((H,), jnp.float32)
    inp['nW2'] = jax.random.normal(ks[13], (H, H), jnp.float32) * 0.05
    inp['nb2'] = jnp.zeros((H,), jnp.float32)
    inp['ln_g'] = jnp.ones((H,), jnp.float32)
    inp['ln_b'] = jnp.zeros((H,), jnp.float32)
    return inp


def reference(h, edge_index, edge_relation, node_momentum_signature, node_role,
              node_mass_features, edge_channel, rel_emb, role_emb, channel_emb,
              eW1, eb1, eW2, eb2, nW1, nb1, nW2, nb2, ln_g, ln_b):
    src = edge_index[0]
    dst = edge_index[1]
    sig = node_momentum_signature
    src_sig = sig[src]
    dst_sig = sig[dst]
    sum_sig = src_sig + dst_sig
    diff_sig = dst_sig - src_sig
    abs_diff_sig = jnp.abs(diff_sig)
    overlap = jnp.sum(src_sig * dst_sig, axis=-1, keepdims=True)
    diff_norm = jnp.sum(diff_sig ** 2, axis=-1, keepdims=True)
    src_norm = jnp.sum(src_sig ** 2, axis=-1, keepdims=True)
    dst_norm = jnp.sum(dst_sig ** 2, axis=-1, keepdims=True)
    static_scalars = signed_log1p(jnp.concatenate([overlap, diff_norm, src_norm, dst_norm], axis=-1))
    edge_input = jnp.concatenate([
        h[src], h[dst],
        signed_log1p(src_sig), signed_log1p(dst_sig),
        signed_log1p(sum_sig), signed_log1p(abs_diff_sig),
        static_scalars,
        node_mass_features[src], node_mass_features[dst],
        rel_emb[edge_relation], role_emb[node_role[src]], role_emb[node_role[dst]],
        channel_emb[edge_channel]], axis=-1)
    m = jax.nn.silu(jax.nn.silu(edge_input @ eW1 + eb1) @ eW2 + eb2)
    agg = jax.ops.segment_sum(m, dst, num_segments=h.shape[0])
    node_input = jnp.concatenate([
        h, agg, signed_log1p(sig), node_mass_features, role_emb[node_role]], axis=-1)
    update = jax.nn.silu(node_input @ nW1 + nb1) @ nW2 + nb2
    y = h + update
    mu = jnp.mean(y, axis=-1, keepdims=True)
    var = jnp.var(y, axis=-1, keepdims=True)
    return (y - mu) / jnp.sqrt(var + 1e-5) * ln_g + ln_b

if __name__ == "__main__":
    import jax
    _d = setup_inputs()
    print(jax.jit(kernel)(*tuple(_d.values())))

</pallas_src>

<mosaic_0001>
#map = affine_map<(d0, d1) -> (0, 0)>
#map1 = affine_map<(d0, d1) -> (0)>
#map2 = affine_map<(d0, d1) -> (0, 0, 0)>
module attributes {stable_mosaic.version = 14 : i64} {
  func.func @sk(%arg0: i32, %arg1: i32, %arg2: memref<320000x128xf32, #tpu.memory_space<hbm>>, %arg3: memref<320000xi32, #tpu.memory_space<hbm>>, %arg4: memref<10240x128xf32, #tpu.memory_space<hbm>>, %arg5: memref<2x10240x128xf32, #tpu.memory_space<hbm>>, %arg6: memref<80xi32, #tpu.memory_space<vmem>>, %arg7: memref<80xi32, #tpu.memory_space<vmem>>, %arg8: memref<80x128xf32, #tpu.memory_space<vmem>>, %arg9: memref<80x128xf32, #tpu.memory_space<vmem>>, %arg10: memref<10240x128xf32, #tpu.memory_space<vmem_shared>>, %arg11: memref<!tpu.dma_semaphore, #tpu.memory_space<semaphore_mem>>, %arg12: memref<!tpu.dma_semaphore, #tpu.memory_space<semaphore_mem>>) attributes {dimension_semantics = [#tpu.dimension_semantics<core_parallel>, #tpu.dimension_semantics<subcore_parallel>], iteration_bounds = array<i64: 2, 16>, scalar_prefetch = 0 : i64, scratch_operands = 7 : i64, tpu.core_type = #tpu.core_type<sc_vector_subcore>, window_params = [{transform_indices = #map}, {transform_indices = #map1}, {transform_indices = #map}, {transform_indices = #map2}]} {
    %mul3A = arith.constant 640 : i32
    %mul3A_0 = arith.muli %arg1, %mul3A : i32
    "tpu.region"() ({
      %run_scoped3A = tpu.sem_alloc : memref<!tpu.dma_semaphore, #tpu.memory_space<semaphore_mem>>
      %dma_start3A_20 = arith.constant 0 : i32
      %dma_start3A_21 = tpu.memref_slice %arg10[%mul3A_0, %dma_start3A_20] : memref<10240x128xf32, #tpu.memory_space<vmem_shared>> -> memref<640x128xf32, #tpu.memory_space<vmem_shared>>
      %dma_start3A_22 = arith.constant 0 : i32
      %dma_start3A_23 = tpu.memref_slice %arg4[%mul3A_0, %dma_start3A_22] : memref<10240x128xf32, #tpu.memory_space<hbm>> -> memref<640x128xf32, #tpu.memory_space<hbm>>
      tpu.enqueue_dma source(%dma_start3A_23 : memref<640x128xf32, #tpu.memory_space<hbm>>) target(%dma_start3A_21 : memref<640x128xf32, #tpu.memory_space<vmem_shared>>) target_semaphore(%run_scoped3A : memref<!tpu.dma_semaphore, #tpu.memory_space<semaphore_mem>>)
      %dma_wait3A_24 = arith.constant 0 : i32
      %dma_wait3A_25 = tpu.memref_slice %arg10[%mul3A_0, %dma_wait3A_24] : memref<10240x128xf32, #tpu.memory_space<vmem_shared>> -> memref<640x128xf32, #tpu.memory_space<vmem_shared>>
      %dma_wait3A_26 = arith.constant 0 : i32
      %dma_wait3A_27 = tpu.memref_slice %arg4[%mul3A_0, %dma_wait3A_26] : memref<10240x128xf32, #tpu.memory_space<hbm>> -> memref<640x128xf32, #tpu.memory_space<hbm>>
      tpu.wait_dma2 semaphore(%run_scoped3A : memref<!tpu.dma_semaphore, #tpu.memory_space<semaphore_mem>>) src(%dma_wait3A_27 : memref<640x128xf32, #tpu.memory_space<hbm>>) dst(%dma_wait3A_25 : memref<640x128xf32, #tpu.memory_space<vmem_shared>>)
      tpu.yield
    }) : () -> ()
    %barrier3A = arith.constant 0 : index
    tpu.barrier barrier_id(%barrier3A)
    %mul3A_1 = arith.constant 160000 : i32
    %mul3A_2 = arith.muli %arg0, %mul3A_1 : i32
    %mul3A_3 = arith.constant 10000 : i32
    %mul3A_4 = arith.muli %arg1, %mul3A_3 : i32
    %add3A = arith.addi %mul3A_2, %mul3A_4 : i32
    "tpu.region"() ({
      %run_scoped3A = tpu.sem_alloc : memref<!tpu.dma_semaphore, #tpu.memory_space<semaphore_mem>>
      %dma_start3A_20 = tpu.memref_slice %arg3[%add3A] : memref<320000xi32, #tpu.memory_space<hbm>> -> memref<80xi32, #tpu.memory_space<hbm>>
      %dma_start3A_21 = tpu.memref_slice %arg3[%add3A] : memref<320000xi32, #tpu.memory_space<hbm>> -> memref<80xi32, #tpu.memory_space<hbm>>
      tpu.enqueue_dma source(%dma_start3A_21 : memref<80xi32, #tpu.memory_space<hbm>>) target(%arg6 : memref<80xi32, #tpu.memory_space<vmem>>) target_semaphore(%run_scoped3A : memref<!tpu.dma_semaphore, #tpu.memory_space<semaphore_mem>>)
      %dma_wait3A_22 = tpu.memref_slice %arg3[%add3A] : memref<320000xi32, #tpu.memory_space<hbm>> -> memref<80xi32, #tpu.memory_space<hbm>>
      %dma_wait3A_23 = tpu.memref_slice %arg3[%add3A] : memref<320000xi32, #tpu.memory_space<hbm>> -> memref<80xi32, #tpu.memory_space<hbm>>
      tpu.wait_dma2 semaphore(%run_scoped3A : memref<!tpu.dma_semaphore, #tpu.memory_space<semaphore_mem>>) src(%dma_wait3A_23 : memref<80xi32, #tpu.memory_space<hbm>>) dst(%arg6 : memref<80xi32, #tpu.memory_space<vmem>>)
      tpu.yield
    }) : () -> ()
    %dma_start3A = arith.constant 0 : i32
    %dma_start3A_5 = tpu.memref_slice %arg2[%add3A, %dma_start3A] : memref<320000x128xf32, #tpu.memory_space<hbm>> -> memref<80x128xf32, #tpu.memory_space<hbm>>
    %dma_start3A_6 = arith.constant 0 : i32
    %dma_start3A_7 = tpu.memref_slice %arg2[%add3A, %dma_start3A_6] : memref<320000x128xf32, #tpu.memory_space<hbm>> -> memref<80x128xf32, #tpu.memory_space<hbm>>
    tpu.enqueue_dma source(%dma_start3A_7 : memref<80x128xf32, #tpu.memory_space<hbm>>) target(%arg8 : memref<80x128xf32, #tpu.memory_space<vmem>>) target_semaphore(%arg11 : memref<!tpu.dma_semaphore, #tpu.memory_space<semaphore_mem>>)
    %scan3A = arith.constant 0 : i32
    %scan3A_8 = arith.constant 0 : i32
    %scan3A_9 = arith.constant 62 : i32
    %scan3A_10 = arith.addi %scan3A_8, %scan3A_9 : i32
    %scan3A_11 = arith.constant 1 : i32
    %scan3A_12 = scf.for %scan3A_20 = %scan3A_8 to %scan3A_10 step %scan3A_11 iter_args(%scan3A_21 = %scan3A) -> (i32)  : i32 {
      %mul3A_22 = arith.constant 2 : i32
      %mul3A_23 = arith.muli %mul3A_22, %scan3A_20 : i32
      %mul3A_24 = arith.constant 80 : i32
      %mul3A_25 = arith.muli %mul3A_23, %mul3A_24 : i32
      %add3A_26 = arith.addi %add3A, %mul3A_25 : i32
      %add3A_27 = arith.constant 80 : i32
      %add3A_28 = arith.addi %add3A_26, %add3A_27 : i32
      "tpu.region"() ({
        %run_scoped3A = tpu.sem_alloc : memref<!tpu.dma_semaphore, #tpu.memory_space<semaphore_mem>>
        %dma_start3A_48 = tpu.memref_slice %arg3[%add3A_28] : memref<320000xi32, #tpu.memory_space<hbm>> -> memref<80xi32, #tpu.memory_space<hbm>>
        %dma_start3A_49 = tpu.memref_slice %arg3[%add3A_28] : memref<320000xi32, #tpu.memory_space<hbm>> -> memref<80xi32, #tpu.memory_space<hbm>>
        tpu.enqueue_dma source(%dma_start3A_49 : memref<80xi32, #tpu.memory_space<hbm>>) target(%arg7 : memref<80xi32, #tpu.memory_space<vmem>>) target_semaphore(%run_scoped3A : memref<!tpu.dma_semaphore, #tpu.memory_space<semaphore_mem>>)
        %dma_wait3A_50 = tpu.memref_slice %arg3[%add3A_28] : memref<320000xi32, #tpu.memory_space<hbm>> -> memref<80xi32, #tpu.memory_space<hbm>>
        %dma_wait3A_51 = tpu.memref_slice %arg3[%add3A_28] : memref<320000xi32, #tpu.memory_space<hbm>> -> memref<80xi32, #tpu.memory_space<hbm>>
        tpu.wait_dma2 semaphore(%run_scoped3A : memref<!tpu.dma_semaphore, #tpu.memory_space<semaphore_mem>>) src(%dma_wait3A_51 : memref<80xi32, #tpu.memory_space<hbm>>) dst(%arg7 : memref<80xi32, #tpu.memory_space<vmem>>)
        tpu.yield
      }) : () -> ()
      %dma_start3A_29 = arith.constant 0 : i32
      %dma_start3A_30 = tpu.memref_slice %arg2[%add3A_28, %dma_start3A_29] : memref<320000x128xf32, #tpu.memory_space<hbm>> -> memref<80x128xf32, #tpu.memory_space<hbm>>
      %dma_start3A_31 = arith.constant 0 : i32
      %dma_start3A_32 = tpu.memref_slice %arg2[%add3A_28, %dma_start3A_31] : memref<320000x128xf32, #tpu.memory_space<hbm>> -> memref<80x128xf32, #tpu.memory_space<hbm>>
      tpu.enqueue_dma source(%dma_start3A_32 : memref<80x128xf32, #tpu.memory_space<hbm>>) target(%arg9 : memref<80x128xf32, #tpu.memory_space<vmem>>) target_semaphore(%arg12 : memref<!tpu.dma_semaphore, #tpu.memory_space<semaphore_mem>>)
      %dma_wait3A_33 = arith.constant 0 : i32
      %dma_wait3A_34 = tpu.memref_slice %arg2[%add3A_26, %dma_wait3A_33] : memref<320000x128xf32, #tpu.memory_space<hbm>> -> memref<80x128xf32, #tpu.memory_space<hbm>>
      %dma_wait3A_35 = arith.constant 0 : i32
      %dma_wait3A_36 = tpu.memref_slice %arg2[%add3A_26, %dma_wait3A_35] : memref<320000x128xf32, #tpu.memory_space<hbm>> -> memref<80x128xf32, #tpu.memory_space<hbm>>
      tpu.wait_dma2 semaphore(%arg11 : memref<!tpu.dma_semaphore, #tpu.memory_space<semaphore_mem>>) src(%dma_wait3A_36 : memref<80x128xf32, #tpu.memory_space<hbm>>) dst(%arg8 : memref<80x128xf32, #tpu.memory_space<vmem>>)
      "tpu.region"() ({
        %run_scoped3A = tpu.sem_alloc : memref<!tpu.dma_semaphore, #tpu.memory_space<semaphore_mem>>
        %dma_start3A_48 = arith.constant 0 : i32
        %dma_start3A_49 = arith.constant 0 : i32
        %dma_start3A_50 = tpu.memref_slice %arg10[%dma_start3A_48, %dma_start3A_49] : memref<10240x128xf32, #tpu.memory_space<vmem_shared>> -> memref<10240x128xf32, #tpu.memory_space<vmem_shared>>
        tpu.enqueue_indirect_dma source(%arg8 : memref<80x128xf32, #tpu.memory_space<vmem>>) target(%dma_start3A_50 : memref<10240x128xf32, #tpu.memory_space<vmem_shared>>) offsets(%arg6 : memref<80xi32, #tpu.memory_space<vmem>>) semaphore(%run_scoped3A : memref<!tpu.dma_semaphore, #tpu.memory_space<semaphore_mem>>) {add = true}
        %dma_wait3A_51 = arith.constant 0 : i32
        %dma_wait3A_52 = arith.constant 0 : i32
        %dma_wait3A_53 = tpu.memref_slice %arg10[%dma_wait3A_51, %dma_wait3A_52] : memref<10240x128xf32, #tpu.memory_space<vmem_shared>> -> memref<10240x128xf32, #tpu.memory_space<vmem_shared>>
        tpu.wait_indirect_dma semaphore(%run_scoped3A : memref<!tpu.dma_semaphore, #tpu.memory_space<semaphore_mem>>) src(%arg8 : memref<80x128xf32, #tpu.memory_space<vmem>>) dst(%dma_wait3A_53 : memref<10240x128xf32, #tpu.memory_space<vmem_shared>>)
        tpu.yield
      }) : () -> ()
      %mul3A_37 = arith.constant 2 : i32
      %mul3A_38 = arith.muli %mul3A_37, %scan3A_20 : i32
      %add3A_39 = arith.constant 2 : i32
      %add3A_40 = arith.addi %mul3A_38, %add3A_39 : i32
      %lt3A = arith.constant 125 : i32
      %lt3A_41 = arith.cmpi slt, %add3A_40, %lt3A : i32
      %convert_element_type3A = arith.extui %lt3A_41 : i1 to i32
      %cond3A = arith.constant 0 : i32
      %cond3A_42 = arith.cmpi ne, %convert_element_type3A, %cond3A : i32
      scf.if %cond3A_42 {
        %add3A_48 = arith.constant 80 : i32
        %add3A_49 = arith.addi %add3A_28, %add3A_48 : i32
        "tpu.region"() ({
          %run_scoped3A = tpu.sem_alloc : memref<!tpu.dma_semaphore, #tpu.memory_space<semaphore_mem>>
          %dma_start3A_54 = tpu.memref_slice %arg3[%add3A_49] : memref<320000xi32, #tpu.memory_space<hbm>> -> memref<80xi32, #tpu.memory_space<hbm>>
          %dma_start3A_55 = tpu.memref_slice %arg3[%add3A_49] : memref<320000xi32, #tpu.memory_space<hbm>> -> memref<80xi32, #tpu.memory_space<hbm>>
          tpu.enqueue_dma source(%dma_start3A_55 : memref<80xi32, #tpu.memory_space<hbm>>) target(%arg6 : memref<80xi32, #tpu.memory_space<vmem>>) target_semaphore(%run_scoped3A : memref<!tpu.dma_semaphore, #tpu.memory_space<semaphore_mem>>)
          %dma_wait3A_56 = tpu.memref_slice %arg3[%add3A_49] : memref<320000xi32, #tpu.memory_space<hbm>> -> memref<80xi32, #tpu.memory_space<hbm>>
          %dma_wait3A_57 = tpu.memref_slice %arg3[%add3A_49] : memref<320000xi32, #tpu.memory_space<hbm>> -> memref<80xi32, #tpu.memory_space<hbm>>
          tpu.wait_dma2 semaphore(%run_scoped3A : memref<!tpu.dma_semaphore, #tpu.memory_space<semaphore_mem>>) src(%dma_wait3A_57 : memref<80xi32, #tpu.memory_space<hbm>>) dst(%arg6 : memref<80xi32, #tpu.memory_space<vmem>>)
          tpu.yield
        }) : () -> ()
        %dma_start3A_50 = arith.constant 0 : i32
        %dma_start3A_51 = tpu.memref_slice %arg2[%add3A_49, %dma_start3A_50] : memref<320000x128xf32, #tpu.memory_space<hbm>> -> memref<80x128xf32, #tpu.memory_space<hbm>>
        %dma_start3A_52 = arith.constant 0 : i32
        %dma_start3A_53 = tpu.memref_slice %arg2[%add3A_49, %dma_start3A_52] : memref<320000x128xf32, #tpu.memory_space<hbm>> -> memref<80x128xf32, #tpu.memory_space<hbm>>
        tpu.enqueue_dma source(%dma_start3A_53 : memref<80x128xf32, #tpu.memory_space<hbm>>) target(%arg8 : memref<80x128xf32, #tpu.memory_space<vmem>>) target_semaphore(%arg11 : memref<!tpu.dma_semaphore, #tpu.memory_space<semaphore_mem>>)
      } else {
      }
      %dma_wait3A_43 = arith.constant 0 : i32
      %dma_wait3A_44 = tpu.memref_slice %arg2[%add3A_28, %dma_wait3A_43] : memref<320000x128xf32, #tpu.memory_space<hbm>> -> memref<80x128xf32, #tpu.memory_space<hbm>>
      %dma_wait3A_45 = arith.constant 0 : i32
      %dma_wait3A_46 = tpu.memref_slice %arg2[%add3A_28, %dma_wait3A_45] : memref<320000x128xf32, #tpu.memory_space<hbm>> -> memref<80x128xf32, #tpu.memory_space<hbm>>
      tpu.wait_dma2 semaphore(%arg12 : memref<!tpu.dma_semaphore, #tpu.memory_space<semaphore_mem>>) src(%dma_wait3A_46 : memref<80x128xf32, #tpu.memory_space<hbm>>) dst(%arg9 : memref<80x128xf32, #tpu.memory_space<vmem>>)
      "tpu.region"() ({
        %run_scoped3A = tpu.sem_alloc : memref<!tpu.dma_semaphore, #tpu.memory_space<semaphore_mem>>
        %dma_start3A_48 = arith.constant 0 : i32
        %dma_start3A_49 = arith.constant 0 : i32
        %dma_start3A_50 = tpu.memref_slice %arg10[%dma_start3A_48, %dma_start3A_49] : memref<10240x128xf32, #tpu.memory_space<vmem_shared>> -> memref<10240x128xf32, #tpu.memory_space<vmem_shared>>
        tpu.enqueue_indirect_dma source(%arg9 : memref<80x128xf32, #tpu.memory_space<vmem>>) target(%dma_start3A_50 : memref<10240x128xf32, #tpu.memory_space<vmem_shared>>) offsets(%arg7 : memref<80xi32, #tpu.memory_space<vmem>>) semaphore(%run_scoped3A : memref<!tpu.dma_semaphore, #tpu.memory_space<semaphore_mem>>) {add = true}
        %dma_wait3A_51 = arith.constant 0 : i32
        %dma_wait3A_52 = arith.constant 0 : i32
        %dma_wait3A_53 = tpu.memref_slice %arg10[%dma_wait3A_51, %dma_wait3A_52] : memref<10240x128xf32, #tpu.memory_space<vmem_shared>> -> memref<10240x128xf32, #tpu.memory_space<vmem_shared>>
        tpu.wait_indirect_dma semaphore(%run_scoped3A : memref<!tpu.dma_semaphore, #tpu.memory_space<semaphore_mem>>) src(%arg9 : memref<80x128xf32, #tpu.memory_space<vmem>>) dst(%dma_wait3A_53 : memref<10240x128xf32, #tpu.memory_space<vmem_shared>>)
        tpu.yield
      }) : () -> ()
      %scan3A_47 = arith.constant 0 : i32
      scf.yield %scan3A_47 : i32
    }
    %scan3A_13 = arith.constant 62 : i32
    %add3A_14 = arith.constant 9920 : i32
    %add3A_15 = arith.addi %add3A, %add3A_14 : i32
    %dma_wait3A = arith.constant 0 : i32
    %dma_wait3A_16 = tpu.memref_slice %arg2[%add3A_15, %dma_wait3A] : memref<320000x128xf32, #tpu.memory_space<hbm>> -> memref<80x128xf32, #tpu.memory_space<hbm>>
    %dma_wait3A_17 = arith.constant 0 : i32
    %dma_wait3A_18 = tpu.memref_slice %arg2[%add3A_15, %dma_wait3A_17] : memref<320000x128xf32, #tpu.memory_space<hbm>> -> memref<80x128xf32, #tpu.memory_space<hbm>>
    tpu.wait_dma2 semaphore(%arg11 : memref<!tpu.dma_semaphore, #tpu.memory_space<semaphore_mem>>) src(%dma_wait3A_18 : memref<80x128xf32, #tpu.memory_space<hbm>>) dst(%arg8 : memref<80x128xf32, #tpu.memory_space<vmem>>)
    "tpu.region"() ({
      %run_scoped3A = tpu.sem_alloc : memref<!tpu.dma_semaphore, #tpu.memory_space<semaphore_mem>>
      %dma_start3A_20 = arith.constant 0 : i32
      %dma_start3A_21 = arith.constant 0 : i32
      %dma_start3A_22 = tpu.memref_slice %arg10[%dma_start3A_20, %dma_start3A_21] : memref<10240x128xf32, #tpu.memory_space<vmem_shared>> -> memref<10240x128xf32, #tpu.memory_space<vmem_shared>>
      tpu.enqueue_indirect_dma source(%arg8 : memref<80x128xf32, #tpu.memory_space<vmem>>) target(%dma_start3A_22 : memref<10240x128xf32, #tpu.memory_space<vmem_shared>>) offsets(%arg6 : memref<80xi32, #tpu.memory_space<vmem>>) semaphore(%run_scoped3A : memref<!tpu.dma_semaphore, #tpu.memory_space<semaphore_mem>>) {add = true}
      %dma_wait3A_23 = arith.constant 0 : i32
      %dma_wait3A_24 = arith.constant 0 : i32
      %dma_wait3A_25 = tpu.memref_slice %arg10[%dma_wait3A_23, %dma_wait3A_24] : memref<10240x128xf32, #tpu.memory_space<vmem_shared>> -> memref<10240x128xf32, #tpu.memory_space<vmem_shared>>
      tpu.wait_indirect_dma semaphore(%run_scoped3A : memref<!tpu.dma_semaphore, #tpu.memory_space<semaphore_mem>>) src(%arg8 : memref<80x128xf32, #tpu.memory_space<vmem>>) dst(%dma_wait3A_25 : memref<10240x128xf32, #tpu.memory_space<vmem_shared>>)
      tpu.yield
    }) : () -> ()
    %barrier3A_19 = arith.constant 0 : index
    tpu.barrier barrier_id(%barrier3A_19)
    "tpu.region"() ({
      %run_scoped3A = tpu.sem_alloc : memref<!tpu.dma_semaphore, #tpu.memory_space<semaphore_mem>>
      %dma_start3A_20 = arith.constant 0 : i32
      %dma_start3A_21 = tpu.memref_slice %arg5[%arg0, %mul3A_0, %dma_start3A_20] : memref<2x10240x128xf32, #tpu.memory_space<hbm>> -> memref<1x640x128xf32, #tpu.memory_space<hbm>>
      %dma_start3A_22 = tpu.memref_squeeze %dma_start3A_21 : memref<1x640x128xf32, #tpu.memory_space<hbm>> -> memref<640x128xf32, #tpu.memory_space<hbm>>
      %dma_start3A_23 = arith.constant 0 : i32
      %dma_start3A_24 = tpu.memref_slice %arg10[%mul3A_0, %dma_start3A_23] : memref<10240x128xf32, #tpu.memory_space<vmem_shared>> -> memref<640x128xf32, #tpu.memory_space<vmem_shared>>
      tpu.enqueue_dma source(%dma_start3A_24 : memref<640x128xf32, #tpu.memory_space<vmem_shared>>) target(%dma_start3A_22 : memref<640x128xf32, #tpu.memory_space<hbm>>) target_semaphore(%run_scoped3A : memref<!tpu.dma_semaphore, #tpu.memory_space<semaphore_mem>>)
      %dma_wait3A_25 = arith.constant 0 : i32
      %dma_wait3A_26 = tpu.memref_slice %arg5[%arg0, %mul3A_0, %dma_wait3A_25] : memref<2x10240x128xf32, #tpu.memory_space<hbm>> -> memref<1x640x128xf32, #tpu.memory_space<hbm>>
      %dma_wait3A_27 = tpu.memref_squeeze %dma_wait3A_26 : memref<1x640x128xf32, #tpu.memory_space<hbm>> -> memref<640x128xf32, #tpu.memory_space<hbm>>
      %dma_wait3A_28 = arith.constant 0 : i32
      %dma_wait3A_29 = tpu.memref_slice %arg10[%mul3A_0, %dma_wait3A_28] : memref<10240x128xf32, #tpu.memory_space<vmem_shared>> -> memref<640x128xf32, #tpu.memory_space<vmem_shared>>
      tpu.wait_dma2 semaphore(%run_scoped3A : memref<!tpu.dma_semaphore, #tpu.memory_space<semaphore_mem>>) src(%dma_wait3A_29 : memref<640x128xf32, #tpu.memory_space<vmem_shared>>) dst(%dma_wait3A_27 : memref<640x128xf32, #tpu.memory_space<hbm>>)
      tpu.yield
    }) : () -> ()
    return
  }
}

#map = affine_map<(d0, d1) -> (0)>
#map1 = affine_map<(d0, d1) -> (0, 0)>
module attributes {stable_mosaic.version = 14 : i64} {
  func.func @gk(%arg0: i32, %arg1: i32, %arg2: memref<320000xi32, #tpu.memory_space<hbm>>, %arg3: memref<320000xi32, #tpu.memory_space<hbm>>, %arg4: memref<10240x128xf32, #tpu.memory_space<hbm>>, %arg5: memref<10240x128xf32, #tpu.memory_space<hbm>>, %arg6: memref<320000x128xf32, #tpu.memory_space<hbm>>, %arg7: memref<320000x128xf32, #tpu.memory_space<hbm>>, %arg8: memref<160xi32, #tpu.memory_space<vmem>>, %arg9: memref<160xi32, #tpu.memory_space<vmem>>, %arg10: memref<160x128xf32, #tpu.memory_space<vmem>>, %arg11: memref<160x128xf32, #tpu.memory_space<vmem>>, %arg12: memref<10240x128xf32, #tpu.memory_space<vmem_shared>>, %arg13: memref<!tpu.dma_semaphore, #tpu.memory_space<semaphore_mem>>, %arg14: memref<!tpu.dma_semaphore, #tpu.memory_space<semaphore_mem>>) attributes {dimension_semantics = [#tpu.dimension_semantics<core_parallel>, #tpu.dimension_semantics<subcore_parallel>], iteration_bounds = array<i64: 2, 16>, scalar_prefetch = 0 : i64, scratch_operands = 7 : i64, tpu.core_type = #tpu.core_type<sc_vector_subcore>, window_params = [{transform_indices = #map}, {transform_indices = #map}, {transform_indices = #map1}, {transform_indices = #map1}, {transform_indices = #map1}, {transform_indices = #map1}]} {
    %mul3A = arith.constant 640 : i32
    %mul3A_0 = arith.muli %arg1, %mul3A : i32
    %mul3A_1 = arith.constant 20000 : i32
    %mul3A_2 = arith.muli %arg1, %mul3A_1 : i32
    %eq3A = arith.constant 0 : i32
    %eq3A_3 = arith.cmpi eq, %arg0, %eq3A : i32
    %convert_element_type3A = arith.extui %eq3A_3 : i1 to i32
    %cond3A = arith.constant 0 : i32
    %cond3A_4 = arith.cmpi ne, %convert_element_type3A, %cond3A : i32
    scf.if %cond3A_4 {
      "tpu.region"() ({
        %run_scoped3A = tpu.sem_alloc : memref<!tpu.dma_semaphore, #tpu.memory_space<semaphore_mem>>
        %dma_start3A = arith.constant 0 : i32
        %dma_start3A_20 = tpu.memref_slice %arg12[%mul3A_0, %dma_start3A] : memref<10240x128xf32, #tpu.memory_space<vmem_shared>> -> memref<640x128xf32, #tpu.memory_space<vmem_shared>>
        %dma_start3A_21 = arith.constant 0 : i32
        %dma_start3A_22 = tpu.memref_slice %arg4[%mul3A_0, %dma_start3A_21] : memref<10240x128xf32, #tpu.memory_space<hbm>> -> memref<640x128xf32, #tpu.memory_space<hbm>>
        tpu.enqueue_dma source(%dma_start3A_22 : memref<640x128xf32, #tpu.memory_space<hbm>>) target(%dma_start3A_20 : memref<640x128xf32, #tpu.memory_space<vmem_shared>>) target_semaphore(%run_scoped3A : memref<!tpu.dma_semaphore, #tpu.memory_space<semaphore_mem>>)
        %dma_wait3A = arith.constant 0 : i32
        %dma_wait3A_23 = tpu.memref_slice %arg12[%mul3A_0, %dma_wait3A] : memref<10240x128xf32, #tpu.memory_space<vmem_shared>> -> memref<640x128xf32, #tpu.memory_space<vmem_shared>>
        %dma_wait3A_24 = arith.constant 0 : i32
        %dma_wait3A_25 = tpu.memref_slice %arg4[%mul3A_0, %dma_wait3A_24] : memref<10240x128xf32, #tpu.memory_space<hbm>> -> memref<640x128xf32, #tpu.memory_space<hbm>>
        tpu.wait_dma2 semaphore(%run_scoped3A : memref<!tpu.dma_semaphore, #tpu.memory_space<semaphore_mem>>) src(%dma_wait3A_25 : memref<640x128xf32, #tpu.memory_space<hbm>>) dst(%dma_wait3A_23 : memref<640x128xf32, #tpu.memory_space<vmem_shared>>)
        tpu.yield
      }) : () -> ()
    } else {
    }
    %eq3A_5 = arith.constant 1 : i32
    %eq3A_6 = arith.cmpi eq, %arg0, %eq3A_5 : i32
    %convert_element_type3A_7 = arith.extui %eq3A_6 : i1 to i32
    %cond3A_8 = arith.constant 0 : i32
    %cond3A_9 = arith.cmpi ne, %convert_element_type3A_7, %cond3A_8 : i32
    scf.if %cond3A_9 {
      "tpu.region"() ({
        %run_scoped3A = tpu.sem_alloc : memref<!tpu.dma_semaphore, #tpu.memory_space<semaphore_mem>>
        %dma_start3A = arith.constant 0 : i32
        %dma_start3A_20 = tpu.memref_slice %arg12[%mul3A_0, %dma_start3A] : memref<10240x128xf32, #tpu.memory_space<vmem_shared>> -> memref<640x128xf32, #tpu.memory_space<vmem_shared>>
        %dma_start3A_21 = arith.constant 0 : i32
        %dma_start3A_22 = tpu.memref_slice %arg5[%mul3A_0, %dma_start3A_21] : memref<10240x128xf32, #tpu.memory_space<hbm>> -> memref<640x128xf32, #tpu.memory_space<hbm>>
        tpu.enqueue_dma source(%dma_start3A_22 : memref<640x128xf32, #tpu.memory_space<hbm>>) target(%dma_start3A_20 : memref<640x128xf32, #tpu.memory_space<vmem_shared>>) target_semaphore(%run_scoped3A : memref<!tpu.dma_semaphore, #tpu.memory_space<semaphore_mem>>)
        %dma_wait3A = arith.constant 0 : i32
        %dma_wait3A_23 = tpu.memref_slice %arg12[%mul3A_0, %dma_wait3A] : memref<10240x128xf32, #tpu.memory_space<vmem_shared>> -> memref<640x128xf32, #tpu.memory_space<vmem_shared>>
        %dma_wait3A_24 = arith.constant 0 : i32
        %dma_wait3A_25 = tpu.memref_slice %arg5[%mul3A_0, %dma_wait3A_24] : memref<10240x128xf32, #tpu.memory_space<hbm>> -> memref<640x128xf32, #tpu.memory_space<hbm>>
        tpu.wait_dma2 semaphore(%run_scoped3A : memref<!tpu.dma_semaphore, #tpu.memory_space<semaphore_mem>>) src(%dma_wait3A_25 : memref<640x128xf32, #tpu.memory_space<hbm>>) dst(%dma_wait3A_23 : memref<640x128xf32, #tpu.memory_space<vmem_shared>>)
        tpu.yield
      }) : () -> ()
    } else {
    }
    %barrier3A = arith.constant 0 : index
    tpu.barrier barrier_id(%barrier3A)
    %eq3A_10 = arith.constant 0 : i32
    %eq3A_11 = arith.cmpi eq, %arg0, %eq3A_10 : i32
    %convert_element_type3A_12 = arith.extui %eq3A_11 : i1 to i32
    %cond3A_13 = arith.constant 0 : i32
    %cond3A_14 = arith.cmpi ne, %convert_element_type3A_12, %cond3A_13 : i32
    scf.if %cond3A_14 {
      "tpu.region"() ({
        %run_scoped3A = tpu.sem_alloc : memref<!tpu.dma_semaphore, #tpu.memory_space<semaphore_mem>>
        %dma_start3A_31 = tpu.memref_slice %arg2[%mul3A_2] : memref<320000xi32, #tpu.memory_space<hbm>> -> memref<160xi32, #tpu.memory_space<hbm>>
        %dma_start3A_32 = tpu.memref_slice %arg2[%mul3A_2] : memref<320000xi32, #tpu.memory_space<hbm>> -> memref<160xi32, #tpu.memory_space<hbm>>
        tpu.enqueue_dma source(%dma_start3A_32 : memref<160xi32, #tpu.memory_space<hbm>>) target(%arg8 : memref<160xi32, #tpu.memory_space<vmem>>) target_semaphore(%run_scoped3A : memref<!tpu.dma_semaphore, #tpu.memory_space<semaphore_mem>>)
        %dma_wait3A_33 = tpu.memref_slice %arg2[%mul3A_2] : memref<320000xi32, #tpu.memory_space<hbm>> -> memref<160xi32, #tpu.memory_space<hbm>>
        %dma_wait3A_34 = tpu.memref_slice %arg2[%mul3A_2] : memref<320000xi32, #tpu.memory_space<hbm>> -> memref<160xi32, #tpu.memory_space<hbm>>
        tpu.wait_dma2 semaphore(%run_scoped3A : memref<!tpu.dma_semaphore, #tpu.memory_space<semaphore_mem>>) src(%dma_wait3A_34 : memref<160xi32, #tpu.memory_space<hbm>>) dst(%arg8 : memref<160xi32, #tpu.memory_space<vmem>>)
        tpu.yield
      }) : () -> ()
      %dma_start3A = arith.constant 0 : i32
      %dma_start3A_20 = arith.constant 0 : i32
      %dma_start3A_21 = tpu.memref_slice %arg12[%dma_start3A, %dma_start3A_20] : memref<10240x128xf32, #tpu.memory_space<vmem_shared>> -> memref<10240x128xf32, #tpu.memory_space<vmem_shared>>
      tpu.enqueue_indirect_dma source(%dma_start3A_21 : memref<10240x128xf32, #tpu.memory_space<vmem_shared>>) target(%arg10 : memref<160x128xf32, #tpu.memory_space<vmem>>) offsets(%arg8 : memref<160xi32, #tpu.memory_space<vmem>>) semaphore(%arg13 : memref<!tpu.dma_semaphore, #tpu.memory_space<semaphore_mem>>)
      %scan3A = arith.constant 0 : i32
      %scan3A_22 = arith.constant 0 : i32
      %scan3A_23 = arith.constant 62 : i32
      %scan3A_24 = arith.addi %scan3A_22, %scan3A_23 : i32
      %scan3A_25 = arith.constant 1 : i32
      %scan3A_26 = scf.for %scan3A_31 = %scan3A_22 to %scan3A_24 step %scan3A_25 iter_args(%scan3A_32 = %scan3A) -> (i32)  : i32 {
        %mul3A_33 = arith.constant 2 : i32
        %mul3A_34 = arith.muli %mul3A_33, %scan3A_31 : i32
        %mul3A_35 = arith.constant 160 : i32
        %mul3A_36 = arith.muli %mul3A_34, %mul3A_35 : i32
        %add3A_37 = arith.addi %mul3A_2, %mul3A_36 : i32
        %add3A_38 = arith.constant 160 : i32
        %add3A_39 = arith.addi %add3A_37, %add3A_38 : i32
        "tpu.region"() ({
          %run_scoped3A = tpu.sem_alloc : memref<!tpu.dma_semaphore, #tpu.memory_space<semaphore_mem>>
          %dma_start3A_58 = tpu.memref_slice %arg2[%add3A_39] : memref<320000xi32, #tpu.memory_space<hbm>> -> memref<160xi32, #tpu.memory_space<hbm>>
          %dma_start3A_59 = tpu.memref_slice %arg2[%add3A_39] : memref<320000xi32, #tpu.memory_space<hbm>> -> memref<160xi32, #tpu.memory_space<hbm>>
          tpu.enqueue_dma source(%dma_start3A_59 : memref<160xi32, #tpu.memory_space<hbm>>) target(%arg9 : memref<160xi32, #tpu.memory_space<vmem>>) target_semaphore(%run_scoped3A : memref<!tpu.dma_semaphore, #tpu.memory_space<semaphore_mem>>)
          %dma_wait3A_60 = tpu.memref_slice %arg2[%add3A_39] : memref<320000xi32, #tpu.memory_space<hbm>> -> memref<160xi32, #tpu.memory_space<hbm>>
          %dma_wait3A_61 = tpu.memref_slice %arg2[%add3A_39] : memref<320000xi32, #tpu.memory_space<hbm>> -> memref<160xi32, #tpu.memory_space<hbm>>
          tpu.wait_dma2 semaphore(%run_scoped3A : memref<!tpu.dma_semaphore, #tpu.memory_space<semaphore_mem>>) src(%dma_wait3A_61 : memref<160xi32, #tpu.memory_space<hbm>>) dst(%arg9 : memref<160xi32, #tpu.memory_space<vmem>>)
          tpu.yield
        }) : () -> ()
        %dma_start3A_40 = arith.constant 0 : i32
        %dma_start3A_41 = arith.constant 0 : i32
        %dma_start3A_42 = tpu.memref_slice %arg12[%dma_start3A_40, %dma_start3A_41] : memref<10240x128xf32, #tpu.memory_space<vmem_shared>> -> memref<10240x128xf32, #tpu.memory_space<vmem_shared>>
        tpu.enqueue_indirect_dma source(%dma_start3A_42 : memref<10240x128xf32, #tpu.memory_space<vmem_shared>>) target(%arg11 : memref<160x128xf32, #tpu.memory_space<vmem>>) offsets(%arg9 : memref<160xi32, #tpu.memory_space<vmem>>) semaphore(%arg14 : memref<!tpu.dma_semaphore, #tpu.memory_space<semaphore_mem>>)
        %dma_wait3A_43 = arith.constant 0 : i32
        %dma_wait3A_44 = arith.constant 0 : i32
        %dma_wait3A_45 = tpu.memref_slice %arg12[%dma_wait3A_43, %dma_wait3A_44] : memref<10240x128xf32, #tpu.memory_space<vmem_shared>> -> memref<10240x128xf32, #tpu.memory_space<vmem_shared>>
        tpu.wait_indirect_dma semaphore(%arg13 : memref<!tpu.dma_semaphore, #tpu.memory_space<semaphore_mem>>) src(%dma_wait3A_45 : memref<10240x128xf32, #tpu.memory_space<vmem_shared>>) dst(%arg10 : memref<160x128xf32, #tpu.memory_space<vmem>>)
        "tpu.region"() ({
          %run_scoped3A = tpu.sem_alloc : memref<!tpu.dma_semaphore, #tpu.memory_space<semaphore_mem>>
          %dma_start3A_58 = arith.constant 0 : i32
          %dma_start3A_59 = tpu.memref_slice %arg6[%add3A_37, %dma_start3A_58] : memref<320000x128xf32, #tpu.memory_space<hbm>> -> memref<160x128xf32, #tpu.memory_space<hbm>>
          %dma_start3A_60 = arith.constant 0 : i32
          %dma_start3A_61 = tpu.memref_slice %arg6[%add3A_37, %dma_start3A_60] : memref<320000x128xf32, #tpu.memory_space<hbm>> -> memref<160x128xf32, #tpu.memory_space<hbm>>
          tpu.enqueue_dma source(%arg10 : memref<160x128xf32, #tpu.memory_space<vmem>>) target(%dma_start3A_61 : memref<160x128xf32, #tpu.memory_space<hbm>>) target_semaphore(%run_scoped3A : memref<!tpu.dma_semaphore, #tpu.memory_space<semaphore_mem>>)
          %dma_wait3A_62 = arith.constant 0 : i32
          %dma_wait3A_63 = tpu.memref_slice %arg6[%add3A_37, %dma_wait3A_62] : memref<320000x128xf32, #tpu.memory_space<hbm>> -> memref<160x128xf32, #tpu.memory_space<hbm>>
          %dma_wait3A_64 = arith.constant 0 : i32
          %dma_wait3A_65 = tpu.memref_slice %arg6[%add3A_37, %dma_wait3A_64] : memref<320000x128xf32, #tpu.memory_space<hbm>> -> memref<160x128xf32, #tpu.memory_space<hbm>>
          tpu.wait_dma2 semaphore(%run_scoped3A : memref<!tpu.dma_semaphore, #tpu.memory_space<semaphore_mem>>) src(%arg10 : memref<160x128xf32, #tpu.memory_space<vmem>>) dst(%dma_wait3A_65 : memref<160x128xf32, #tpu.memory_space<hbm>>)
          tpu.yield
        }) : () -> ()
        %mul3A_46 = arith.constant 2 : i32
        %mul3A_47 = arith.muli %mul3A_46, %scan3A_31 : i32
        %add3A_48 = arith.constant 2 : i32
        %add3A_49 = arith.addi %mul3A_47, %add3A_48 : i32
        %lt3A = arith.constant 125 : i32
        %lt3A_50 = arith.cmpi slt, %add3A_49, %lt3A : i32
        %convert_element_type3A_51 = arith.extui %lt3A_50 : i1 to i32
        %cond3A_52 = arith.constant 0 : i32
        %cond3A_53 = arith.cmpi ne, %convert_element_type3A_51, %cond3A_52 : i32
        scf.if %cond3A_53 {
          %add3A_58 = arith.constant 160 : i32
          %add3A_59 = arith.addi %add3A_39, %add3A_58 : i32
          "tpu.region"() ({
            %run_scoped3A = tpu.sem_alloc : memref<!tpu.dma_semaphore, #tpu.memory_space<semaphore_mem>>
            %dma_start3A_63 = tpu.memref_slice %arg2[%add3A_59] : memref<320000xi32, #tpu.memory_space<hbm>> -> memref<160xi32, #tpu.memory_space<hbm>>
            %dma_start3A_64 = tpu.memref_slice %arg2[%add3A_59] : memref<320000xi32, #tpu.memory_space<hbm>> -> memref<160xi32, #tpu.memory_space<hbm>>
            tpu.enqueue_dma source(%dma_start3A_64 : memref<160xi32, #tpu.memory_space<hbm>>) target(%arg8 : memref<160xi32, #tpu.memory_space<vmem>>) target_semaphore(%run_scoped3A : memref<!tpu.dma_semaphore, #tpu.memory_space<semaphore_mem>>)
            %dma_wait3A_65 = tpu.memref_slice %arg2[%add3A_59] : memref<320000xi32, #tpu.memory_space<hbm>> -> memref<160xi32, #tpu.memory_space<hbm>>
            %dma_wait3A_66 = tpu.memref_slice %arg2[%add3A_59] : memref<320000xi32, #tpu.memory_space<hbm>> -> memref<160xi32, #tpu.memory_space<hbm>>
            tpu.wait_dma2 semaphore(%run_scoped3A : memref<!tpu.dma_semaphore, #tpu.memory_space<semaphore_mem>>) src(%dma_wait3A_66 : memref<160xi32, #tpu.memory_space<hbm>>) dst(%arg8 : memref<160xi32, #tpu.memory_space<vmem>>)
            tpu.yield
          }) : () -> ()
          %dma_start3A_60 = arith.constant 0 : i32
          %dma_start3A_61 = arith.constant 0 : i32
          %dma_start3A_62 = tpu.memref_slice %arg12[%dma_start3A_60, %dma_start3A_61] : memref<10240x128xf32, #tpu.memory_space<vmem_shared>> -> memref<10240x128xf32, #tpu.memory_space<vmem_shared>>
          tpu.enqueue_indirect_dma source(%dma_start3A_62 : memref<10240x128xf32, #tpu.memory_space<vmem_shared>>) target(%arg10 : memref<160x128xf32, #tpu.memory_space<vmem>>) offsets(%arg8 : memref<160xi32, #tpu.memory_space<vmem>>) semaphore(%arg13 : memref<!tpu.dma_semaphore, #tpu.memory_space<semaphore_mem>>)
        } else {
        }
        %dma_wait3A_54 = arith.constant 0 : i32
        %dma_wait3A_55 = arith.constant 0 : i32
        %dma_wait3A_56 = tpu.memref_slice %arg12[%dma_wait3A_54, %dma_wait3A_55] : memref<10240x128xf32, #tpu.memory_space<vmem_shared>> -> memref<10240x128xf32, #tpu.memory_space<vmem_shared>>
        tpu.wait_indirect_dma semaphore(%arg14 : memref<!tpu.dma_semaphore, #tpu.memory_space<semaphore_mem>>) src(%dma_wait3A_56 : memref<10240x128xf32, #tpu.memory_space<vmem_shared>>) dst(%arg11 : memref<160x128xf32, #tpu.memory_space<vmem>>)
        "tpu.region"() ({
          %run_scoped3A = tpu.sem_alloc : memref<!tpu.dma_semaphore, #tpu.memory_space<semaphore_mem>>
          %dma_start3A_58 = arith.constant 0 : i32
          %dma_start3A_59 = tpu.memref_slice %arg6[%add3A_39, %dma_start3A_58] : memref<320000x128xf32, #tpu.memory_space<hbm>> -> memref<160x128xf32, #tpu.memory_space<hbm>>
          %dma_start3A_60 = arith.constant 0 : i32
          %dma_start3A_61 = tpu.memref_slice %arg6[%add3A_39, %dma_start3A_60] : memref<320000x128xf32, #tpu.memory_space<hbm>> -> memref<160x128xf32, #tpu.memory_space<hbm>>
          tpu.enqueue_dma source(%arg11 : memref<160x128xf32, #tpu.memory_space<vmem>>) target(%dma_start3A_61 : memref<160x128xf32, #tpu.memory_space<hbm>>) target_semaphore(%run_scoped3A : memref<!tpu.dma_semaphore, #tpu.memory_space<semaphore_mem>>)
          %dma_wait3A_62 = arith.constant 0 : i32
          %dma_wait3A_63 = tpu.memref_slice %arg6[%add3A_39, %dma_wait3A_62] : memref<320000x128xf32, #tpu.memory_space<hbm>> -> memref<160x128xf32, #tpu.memory_space<hbm>>
          %dma_wait3A_64 = arith.constant 0 : i32
          %dma_wait3A_65 = tpu.memref_slice %arg6[%add3A_39, %dma_wait3A_64] : memref<320000x128xf32, #tpu.memory_space<hbm>> -> memref<160x128xf32, #tpu.memory_space<hbm>>
          tpu.wait_dma2 semaphore(%run_scoped3A : memref<!tpu.dma_semaphore, #tpu.memory_space<semaphore_mem>>) src(%arg11 : memref<160x128xf32, #tpu.memory_space<vmem>>) dst(%dma_wait3A_65 : memref<160x128xf32, #tpu.memory_space<hbm>>)
          tpu.yield
        }) : () -> ()
        %scan3A_57 = arith.constant 0 : i32
        scf.yield %scan3A_57 : i32
      }
      %scan3A_27 = arith.constant 62 : i32
      %add3A = arith.constant 19840 : i32
      %add3A_28 = arith.addi %mul3A_2, %add3A : i32
      %dma_wait3A = arith.constant 0 : i32
      %dma_wait3A_29 = arith.constant 0 : i32
      %dma_wait3A_30 = tpu.memref_slice %arg12[%dma_wait3A, %dma_wait3A_29] : memref<10240x128xf32, #tpu.memory_space<vmem_shared>> -> memref<10240x128xf32, #tpu.memory_space<vmem_shared>>
      tpu.wait_indirect_dma semaphore(%arg13 : memref<!tpu.dma_semaphore, #tpu.memory_space<semaphore_mem>>) src(%dma_wait3A_30 : memref<10240x128xf32, #tpu.memory_space<vmem_shared>>) dst(%arg10 : memref<160x128xf32, #tpu.memory_space<vmem>>)
      "tpu.region"() ({
        %run_scoped3A = tpu.sem_alloc : memref<!tpu.dma_semaphore, #tpu.memory_space<semaphore_mem>>
        %dma_start3A_31 = arith.constant 0 : i32
        %dma_start3A_32 = tpu.memref_slice %arg6[%add3A_28, %dma_start3A_31] : memref<320000x128xf32, #tpu.memory_space<hbm>> -> memref<160x128xf32, #tpu.memory_space<hbm>>
        %dma_start3A_33 = arith.constant 0 : i32
        %dma_start3A_34 = tpu.memref_slice %arg6[%add3A_28, %dma_start3A_33] : memref<320000x128xf32, #tpu.memory_space<hbm>> -> memref<160x128xf32, #tpu.memory_space<hbm>>
        tpu.enqueue_dma source(%arg10 : memref<160x128xf32, #tpu.memory_space<vmem>>) target(%dma_start3A_34 : memref<160x128xf32, #tpu.memory_space<hbm>>) target_semaphore(%run_scoped3A : memref<!tpu.dma_semaphore, #tpu.memory_space<semaphore_mem>>)
        %dma_wait3A_35 = arith.constant 0 : i32
        %dma_wait3A_36 = tpu.memref_slice %arg6[%add3A_28, %dma_wait3A_35] : memref<320000x128xf32, #tpu.memory_space<hbm>> -> memref<160x128xf32, #tpu.memory_space<hbm>>
        %dma_wait3A_37 = arith.constant 0 : i32
        %dma_wait3A_38 = tpu.memref_slice %arg6[%add3A_28, %dma_wait3A_37] : memref<320000x128xf32, #tpu.memory_space<hbm>> -> memref<160x128xf32, #tpu.memory_space<hbm>>
        tpu.wait_dma2 semaphore(%run_scoped3A : memref<!tpu.dma_semaphore, #tpu.memory_space<semaphore_mem>>) src(%arg10 : memref<160x128xf32, #tpu.memory_space<vmem>>) dst(%dma_wait3A_38 : memref<160x128xf32, #tpu.memory_space<hbm>>)
        tpu.yield
      }) : () -> ()
    } else {
    }
    %eq3A_15 = arith.constant 1 : i32
    %eq3A_16 = arith.cmpi eq, %arg0, %eq3A_15 : i32
    %convert_element_type3A_17 = arith.extui %eq3A_16 : i1 to i32
    %cond3A_18 = arith.constant 0 : i32
    %cond3A_19 = arith.cmpi ne, %convert_element_type3A_17, %cond3A_18 : i32
    scf.if %cond3A_19 {
      "tpu.region"() ({
        %run_scoped3A = tpu.sem_alloc : memref<!tpu.dma_semaphore, #tpu.memory_space<semaphore_mem>>
        %dma_start3A_31 = tpu.memref_slice %arg3[%mul3A_2] : memref<320000xi32, #tpu.memory_space<hbm>> -> memref<160xi32, #tpu.memory_space<hbm>>
        %dma_start3A_32 = tpu.memref_slice %arg3[%mul3A_2] : memref<320000xi32, #tpu.memory_space<hbm>> -> memref<160xi32, #tpu.memory_space<hbm>>
        tpu.enqueue_dma source(%dma_start3A_32 : memref<160xi32, #tpu.memory_space<hbm>>) target(%arg8 : memref<160xi32, #tpu.memory_space<vmem>>) target_semaphore(%run_scoped3A : memref<!tpu.dma_semaphore, #tpu.memory_space<semaphore_mem>>)
        %dma_wait3A_33 = tpu.memref_slice %arg3[%mul3A_2] : memref<320000xi32, #tpu.memory_space<hbm>> -> memref<160xi32, #tpu.memory_space<hbm>>
        %dma_wait3A_34 = tpu.memref_slice %arg3[%mul3A_2] : memref<320000xi32, #tpu.memory_space<hbm>> -> memref<160xi32, #tpu.memory_space<hbm>>
        tpu.wait_dma2 semaphore(%run_scoped3A : memref<!tpu.dma_semaphore, #tpu.memory_space<semaphore_mem>>) src(%dma_wait3A_34 : memref<160xi32, #tpu.memory_space<hbm>>) dst(%arg8 : memref<160xi32, #tpu.memory_space<vmem>>)
        tpu.yield
      }) : () -> ()
      %dma_start3A = arith.constant 0 : i32
      %dma_start3A_20 = arith.constant 0 : i32
      %dma_start3A_21 = tpu.memref_slice %arg12[%dma_start3A, %dma_start3A_20] : memref<10240x128xf32, #tpu.memory_space<vmem_shared>> -> memref<10240x128xf32, #tpu.memory_space<vmem_shared>>
      tpu.enqueue_indirect_dma source(%dma_start3A_21 : memref<10240x128xf32, #tpu.memory_space<vmem_shared>>) target(%arg10 : memref<160x128xf32, #tpu.memory_space<vmem>>) offsets(%arg8 : memref<160xi32, #tpu.memory_space<vmem>>) semaphore(%arg13 : memref<!tpu.dma_semaphore, #tpu.memory_space<semaphore_mem>>)
      %scan3A = arith.constant 0 : i32
      %scan3A_22 = arith.constant 0 : i32
      %scan3A_23 = arith.constant 62 : i32
      %scan3A_24 = arith.addi %scan3A_22, %scan3A_23 : i32
      %scan3A_25 = arith.constant 1 : i32
      %scan3A_26 = scf.for %scan3A_31 = %scan3A_22 to %scan3A_24 step %scan3A_25 iter_args(%scan3A_32 = %scan3A) -> (i32)  : i32 {
        %mul3A_33 = arith.constant 2 : i32
        %mul3A_34 = arith.muli %mul3A_33, %scan3A_31 : i32
        %mul3A_35 = arith.constant 160 : i32
        %mul3A_36 = arith.muli %mul3A_34, %mul3A_35 : i32
        %add3A_37 = arith.addi %mul3A_2, %mul3A_36 : i32
        %add3A_38 = arith.constant 160 : i32
        %add3A_39 = arith.addi %add3A_37, %add3A_38 : i32
        "tpu.region"() ({
          %run_scoped3A = tpu.sem_alloc : memref<!tpu.dma_semaphore, #tpu.memory_space<semaphore_mem>>
          %dma_start3A_58 = tpu.memref_slice %arg3[%add3A_39] : memref<320000xi32, #tpu.memory_space<hbm>> -> memref<160xi32, #tpu.memory_space<hbm>>
          %dma_start3A_59 = tpu.memref_slice %arg3[%add3A_39] : memref<320000xi32, #tpu.memory_space<hbm>> -> memref<160xi32, #tpu.memory_space<hbm>>
          tpu.enqueue_dma source(%dma_start3A_59 : memref<160xi32, #tpu.memory_space<hbm>>) target(%arg9 : memref<160xi32, #tpu.memory_space<vmem>>) target_semaphore(%run_scoped3A : memref<!tpu.dma_semaphore, #tpu.memory_space<semaphore_mem>>)
          %dma_wait3A_60 = tpu.memref_slice %arg3[%add3A_39] : memref<320000xi32, #tpu.memory_space<hbm>> -> memref<160xi32, #tpu.memory_space<hbm>>
          %dma_wait3A_61 = tpu.memref_slice %arg3[%add3A_39] : memref<320000xi32, #tpu.memory_space<hbm>> -> memref<160xi32, #tpu.memory_space<hbm>>
          tpu.wait_dma2 semaphore(%run_scoped3A : memref<!tpu.dma_semaphore, #tpu.memory_space<semaphore_mem>>) src(%dma_wait3A_61 : memref<160xi32, #tpu.memory_space<hbm>>) dst(%arg9 : memref<160xi32, #tpu.memory_space<vmem>>)
          tpu.yield
        }) : () -> ()
        %dma_start3A_40 = arith.constant 0 : i32
        %dma_start3A_41 = arith.constant 0 : i32
        %dma_start3A_42 = tpu.memref_slice %arg12[%dma_start3A_40, %dma_start3A_41] : memref<10240x128xf32, #tpu.memory_space<vmem_shared>> -> memref<10240x128xf32, #tpu.memory_space<vmem_shared>>
        tpu.enqueue_indirect_dma source(%dma_start3A_42 : memref<10240x128xf32, #tpu.memory_space<vmem_shared>>) target(%arg11 : memref<160x128xf32, #tpu.memory_space<vmem>>) offsets(%arg9 : memref<160xi32, #tpu.memory_space<vmem>>) semaphore(%arg14 : memref<!tpu.dma_semaphore, #tpu.memory_space<semaphore_mem>>)
        %dma_wait3A_43 = arith.constant 0 : i32
        %dma_wait3A_44 = arith.constant 0 : i32
        %dma_wait3A_45 = tpu.memref_slice %arg12[%dma_wait3A_43, %dma_wait3A_44] : memref<10240x128xf32, #tpu.memory_space<vmem_shared>> -> memref<10240x128xf32, #tpu.memory_space<vmem_shared>>
        tpu.wait_indirect_dma semaphore(%arg13 : memref<!tpu.dma_semaphore, #tpu.memory_space<semaphore_mem>>) src(%dma_wait3A_45 : memref<10240x128xf32, #tpu.memory_space<vmem_shared>>) dst(%arg10 : memref<160x128xf32, #tpu.memory_space<vmem>>)
        "tpu.region"() ({
          %run_scoped3A = tpu.sem_alloc : memref<!tpu.dma_semaphore, #tpu.memory_space<semaphore_mem>>
          %dma_start3A_58 = arith.constant 0 : i32
          %dma_start3A_59 = tpu.memref_slice %arg7[%add3A_37, %dma_start3A_58] : memref<320000x128xf32, #tpu.memory_space<hbm>> -> memref<160x128xf32, #tpu.memory_space<hbm>>
          %dma_start3A_60 = arith.constant 0 : i32
          %dma_start3A_61 = tpu.memref_slice %arg7[%add3A_37, %dma_start3A_60] : memref<320000x128xf32, #tpu.memory_space<hbm>> -> memref<160x128xf32, #tpu.memory_space<hbm>>
          tpu.enqueue_dma source(%arg10 : memref<160x128xf32, #tpu.memory_space<vmem>>) target(%dma_start3A_61 : memref<160x128xf32, #tpu.memory_space<hbm>>) target_semaphore(%run_scoped3A : memref<!tpu.dma_semaphore, #tpu.memory_space<semaphore_mem>>)
          %dma_wait3A_62 = arith.constant 0 : i32
          %dma_wait3A_63 = tpu.memref_slice %arg7[%add3A_37, %dma_wait3A_62] : memref<320000x128xf32, #tpu.memory_space<hbm>> -> memref<160x128xf32, #tpu.memory_space<hbm>>
          %dma_wait3A_64 = arith.constant 0 : i32
          %dma_wait3A_65 = tpu.memref_slice %arg7[%add3A_37, %dma_wait3A_64] : memref<320000x128xf32, #tpu.memory_space<hbm>> -> memref<160x128xf32, #tpu.memory_space<hbm>>
          tpu.wait_dma2 semaphore(%run_scoped3A : memref<!tpu.dma_semaphore, #tpu.memory_space<semaphore_mem>>) src(%arg10 : memref<160x128xf32, #tpu.memory_space<vmem>>) dst(%dma_wait3A_65 : memref<160x128xf32, #tpu.memory_space<hbm>>)
          tpu.yield
        }) : () -> ()
        %mul3A_46 = arith.constant 2 : i32
        %mul3A_47 = arith.muli %mul3A_46, %scan3A_31 : i32
        %add3A_48 = arith.constant 2 : i32
        %add3A_49 = arith.addi %mul3A_47, %add3A_48 : i32
        %lt3A = arith.constant 125 : i32
        %lt3A_50 = arith.cmpi slt, %add3A_49, %lt3A : i32
        %convert_element_type3A_51 = arith.extui %lt3A_50 : i1 to i32
        %cond3A_52 = arith.constant 0 : i32
        %cond3A_53 = arith.cmpi ne, %convert_element_type3A_51, %cond3A_52 : i32
        scf.if %cond3A_53 {
          %add3A_58 = arith.constant 160 : i32
          %add3A_59 = arith.addi %add3A_39, %add3A_58 : i32
          "tpu.region"() ({
            %run_scoped3A = tpu.sem_alloc : memref<!tpu.dma_semaphore, #tpu.memory_space<semaphore_mem>>
            %dma_start3A_63 = tpu.memref_slice %arg3[%add3A_59] : memref<320000xi32, #tpu.memory_space<hbm>> -> memref<160xi32, #tpu.memory_space<hbm>>
            %dma_start3A_64 = tpu.memref_slice %arg3[%add3A_59] : memref<320000xi32, #tpu.memory_space<hbm>> -> memref<160xi32, #tpu.memory_space<hbm>>
            tpu.enqueue_dma source(%dma_start3A_64 : memref<160xi32, #tpu.memory_space<hbm>>) target(%arg8 : memref<160xi32, #tpu.memory_space<vmem>>) target_semaphore(%run_scoped3A : memref<!tpu.dma_semaphore, #tpu.memory_space<semaphore_mem>>)
            %dma_wait3A_65 = tpu.memref_slice %arg3[%add3A_59] : memref<320000xi32, #tpu.memory_space<hbm>> -> memref<160xi32, #tpu.memory_space<hbm>>
            %dma_wait3A_66 = tpu.memref_slice %arg3[%add3A_59] : memref<320000xi32, #tpu.memory_space<hbm>> -> memref<160xi32, #tpu.memory_space<hbm>>
            tpu.wait_dma2 semaphore(%run_scoped3A : memref<!tpu.dma_semaphore, #tpu.memory_space<semaphore_mem>>) src(%dma_wait3A_66 : memref<160xi32, #tpu.memory_space<hbm>>) dst(%arg8 : memref<160xi32, #tpu.memory_space<vmem>>)
            tpu.yield
          }) : () -> ()
          %dma_start3A_60 = arith.constant 0 : i32
          %dma_start3A_61 = arith.constant 0 : i32
          %dma_start3A_62 = tpu.memref_slice %arg12[%dma_start3A_60, %dma_start3A_61] : memref<10240x128xf32, #tpu.memory_space<vmem_shared>> -> memref<10240x128xf32, #tpu.memory_space<vmem_shared>>
          tpu.enqueue_indirect_dma source(%dma_start3A_62 : memref<10240x128xf32, #tpu.memory_space<vmem_shared>>) target(%arg10 : memref<160x128xf32, #tpu.memory_space<vmem>>) offsets(%arg8 : memref<160xi32, #tpu.memory_space<vmem>>) semaphore(%arg13 : memref<!tpu.dma_semaphore, #tpu.memory_space<semaphore_mem>>)
        } else {
        }
        %dma_wait3A_54 = arith.constant 0 : i32
        %dma_wait3A_55 = arith.constant 0 : i32
        %dma_wait3A_56 = tpu.memref_slice %arg12[%dma_wait3A_54, %dma_wait3A_55] : memref<10240x128xf32, #tpu.memory_space<vmem_shared>> -> memref<10240x128xf32, #tpu.memory_space<vmem_shared>>
        tpu.wait_indirect_dma semaphore(%arg14 : memref<!tpu.dma_semaphore, #tpu.memory_space<semaphore_mem>>) src(%dma_wait3A_56 : memref<10240x128xf32, #tpu.memory_space<vmem_shared>>) dst(%arg11 : memref<160x128xf32, #tpu.memory_space<vmem>>)
        "tpu.region"() ({
          %run_scoped3A = tpu.sem_alloc : memref<!tpu.dma_semaphore, #tpu.memory_space<semaphore_mem>>
          %dma_start3A_58 = arith.constant 0 : i32
          %dma_start3A_59 = tpu.memref_slice %arg7[%add3A_39, %dma_start3A_58] : memref<320000x128xf32, #tpu.memory_space<hbm>> -> memref<160x128xf32, #tpu.memory_space<hbm>>
          %dma_start3A_60 = arith.constant 0 : i32
          %dma_start3A_61 = tpu.memref_slice %arg7[%add3A_39, %dma_start3A_60] : memref<320000x128xf32, #tpu.memory_space<hbm>> -> memref<160x128xf32, #tpu.memory_space<hbm>>
          tpu.enqueue_dma source(%arg11 : memref<160x128xf32, #tpu.memory_space<vmem>>) target(%dma_start3A_61 : memref<160x128xf32, #tpu.memory_space<hbm>>) target_semaphore(%run_scoped3A : memref<!tpu.dma_semaphore, #tpu.memory_space<semaphore_mem>>)
          %dma_wait3A_62 = arith.constant 0 : i32
          %dma_wait3A_63 = tpu.memref_slice %arg7[%add3A_39, %dma_wait3A_62] : memref<320000x128xf32, #tpu.memory_space<hbm>> -> memref<160x128xf32, #tpu.memory_space<hbm>>
          %dma_wait3A_64 = arith.constant 0 : i32
          %dma_wait3A_65 = tpu.memref_slice %arg7[%add3A_39, %dma_wait3A_64] : memref<320000x128xf32, #tpu.memory_space<hbm>> -> memref<160x128xf32, #tpu.memory_space<hbm>>
          tpu.wait_dma2 semaphore(%run_scoped3A : memref<!tpu.dma_semaphore, #tpu.memory_space<semaphore_mem>>) src(%arg11 : memref<160x128xf32, #tpu.memory_space<vmem>>) dst(%dma_wait3A_65 : memref<160x128xf32, #tpu.memory_space<hbm>>)
          tpu.yield
        }) : () -> ()
        %scan3A_57 = arith.constant 0 : i32
        scf.yield %scan3A_57 : i32
      }
      %scan3A_27 = arith.constant 62 : i32
      %add3A = arith.constant 19840 : i32
      %add3A_28 = arith.addi %mul3A_2, %add3A : i32
      %dma_wait3A = arith.constant 0 : i32
      %dma_wait3A_29 = arith.constant 0 : i32
      %dma_wait3A_30 = tpu.memref_slice %arg12[%dma_wait3A, %dma_wait3A_29] : memref<10240x128xf32, #tpu.memory_space<vmem_shared>> -> memref<10240x128xf32, #tpu.memory_space<vmem_shared>>
      tpu.wait_indirect_dma semaphore(%arg13 : memref<!tpu.dma_semaphore, #tpu.memory_space<semaphore_mem>>) src(%dma_wait3A_30 : memref<10240x128xf32, #tpu.memory_space<vmem_shared>>) dst(%arg10 : memref<160x128xf32, #tpu.memory_space<vmem>>)
      "tpu.region"() ({
        %run_scoped3A = tpu.sem_alloc : memref<!tpu.dma_semaphore, #tpu.memory_space<semaphore_mem>>
        %dma_start3A_31 = arith.constant 0 : i32
        %dma_start3A_32 = tpu.memref_slice %arg7[%add3A_28, %dma_start3A_31] : memref<320000x128xf32, #tpu.memory_space<hbm>> -> memref<160x128xf32, #tpu.memory_space<hbm>>
        %dma_start3A_33 = arith.constant 0 : i32
        %dma_start3A_34 = tpu.memref_slice %arg7[%add3A_28, %dma_start3A_33] : memref<320000x128xf32, #tpu.memory_space<hbm>> -> memref<160x128xf32, #tpu.memory_space<hbm>>
        tpu.enqueue_dma source(%arg10 : memref<160x128xf32, #tpu.memory_space<vmem>>) target(%dma_start3A_34 : memref<160x128xf32, #tpu.memory_space<hbm>>) target_semaphore(%run_scoped3A : memref<!tpu.dma_semaphore, #tpu.memory_space<semaphore_mem>>)
        %dma_wait3A_35 = arith.constant 0 : i32
        %dma_wait3A_36 = tpu.memref_slice %arg7[%add3A_28, %dma_wait3A_35] : memref<320000x128xf32, #tpu.memory_space<hbm>> -> memref<160x128xf32, #tpu.memory_space<hbm>>
        %dma_wait3A_37 = arith.constant 0 : i32
        %dma_wait3A_38 = tpu.memref_slice %arg7[%add3A_28, %dma_wait3A_37] : memref<320000x128xf32, #tpu.memory_space<hbm>> -> memref<160x128xf32, #tpu.memory_space<hbm>>
        tpu.wait_dma2 semaphore(%run_scoped3A : memref<!tpu.dma_semaphore, #tpu.memory_space<semaphore_mem>>) src(%arg10 : memref<160x128xf32, #tpu.memory_space<vmem>>) dst(%dma_wait3A_38 : memref<160x128xf32, #tpu.memory_space<hbm>>)
        tpu.yield
      }) : () -> ()
    } else {
    }
    return
  }
}

#map = affine_map<(d0, d1) -> (0)>
#map1 = affine_map<(d0, d1) -> (0, 0)>
module attributes {stable_mosaic.version = 14 : i64} {
  func.func @gk(%arg0: i32, %arg1: i32, %arg2: memref<320000xi32, #tpu.memory_space<hbm>>, %arg3: memref<320000xi32, #tpu.memory_space<hbm>>, %arg4: memref<10240x16xf32, #tpu.memory_space<hbm>>, %arg5: memref<320000x16xf32, #tpu.memory_space<hbm>>, %arg6: memref<320000x16xf32, #tpu.memory_space<hbm>>, %arg7: memref<1000xi32, #tpu.memory_space<vmem>>, %arg8: memref<1000xi32, #tpu.memory_space<vmem>>, %arg9: memref<1000xi32, #tpu.memory_space<vmem>>, %arg10: memref<1000xi32, #tpu.memory_space<vmem>>, %arg11: memref<1000x16xf32, #tpu.memory_space<vmem>>, %arg12: memref<1000x16xf32, #tpu.memory_space<vmem>>, %arg13: memref<1000x16xf32, #tpu.memory_space<vmem>>, %arg14: memref<1000x16xf32, #tpu.memory_space<vmem>>, %arg15: memref<10240x16xf32, #tpu.memory_space<vmem_shared>>, %arg16: memref<!tpu.dma_semaphore, #tpu.memory_space<semaphore_mem>>, %arg17: memref<!tpu.dma_semaphore, #tpu.memory_space<semaphore_mem>>, %arg18: memref<!tpu.dma_semaphore, #tpu.memory_space<semaphore_mem>>, %arg19: memref<!tpu.dma_semaphore, #tpu.memory_space<semaphore_mem>>) attributes {dimension_semantics = [#tpu.dimension_semantics<core_parallel>, #tpu.dimension_semantics<subcore_parallel>], iteration_bounds = array<i64: 2, 16>, scalar_prefetch = 0 : i64, scratch_operands = 13 : i64, tpu.core_type = #tpu.core_type<sc_vector_subcore>, window_params = [{transform_indices = #map}, {transform_indices = #map}, {transform_indices = #map1}, {transform_indices = #map1}, {transform_indices = #map1}]} {
    %mul3A = arith.constant 2 : i32
    %mul3A_0 = arith.muli %arg1, %mul3A : i32
    %add3A = arith.addi %mul3A_0, %arg0 : i32
    %mul3A_1 = arith.constant 640 : i32
    %mul3A_2 = arith.muli %arg1, %mul3A_1 : i32
    "tpu.region"() ({
      %run_scoped3A = tpu.sem_alloc : memref<!tpu.dma_semaphore, #tpu.memory_space<semaphore_mem>>
      %dma_start3A_16 = arith.constant 0 : i32
      %dma_start3A_17 = tpu.memref_slice %arg15[%mul3A_2, %dma_start3A_16] : memref<10240x16xf32, #tpu.memory_space<vmem_shared>> -> memref<640x16xf32, #tpu.memory_space<vmem_shared>>
      %dma_start3A_18 = arith.constant 0 : i32
      %dma_start3A_19 = tpu.memref_slice %arg4[%mul3A_2, %dma_start3A_18] : memref<10240x16xf32, #tpu.memory_space<hbm>> -> memref<640x16xf32, #tpu.memory_space<hbm>>
      tpu.enqueue_dma source(%dma_start3A_19 : memref<640x16xf32, #tpu.memory_space<hbm>>) target(%dma_start3A_17 : memref<640x16xf32, #tpu.memory_space<vmem_shared>>) target_semaphore(%run_scoped3A : memref<!tpu.dma_semaphore, #tpu.memory_space<semaphore_mem>>)
      %dma_wait3A = arith.constant 0 : i32
      %dma_wait3A_20 = tpu.memref_slice %arg15[%mul3A_2, %dma_wait3A] : memref<10240x16xf32, #tpu.memory_space<vmem_shared>> -> memref<640x16xf32, #tpu.memory_space<vmem_shared>>
      %dma_wait3A_21 = arith.constant 0 : i32
      %dma_wait3A_22 = tpu.memref_slice %arg4[%mul3A_2, %dma_wait3A_21] : memref<10240x16xf32, #tpu.memory_space<hbm>> -> memref<640x16xf32, #tpu.memory_space<hbm>>
      tpu.wait_dma2 semaphore(%run_scoped3A : memref<!tpu.dma_semaphore, #tpu.memory_space<semaphore_mem>>) src(%dma_wait3A_22 : memref<640x16xf32, #tpu.memory_space<hbm>>) dst(%dma_wait3A_20 : memref<640x16xf32, #tpu.memory_space<vmem_shared>>)
      tpu.yield
    }) : () -> ()
    %barrier3A = arith.constant 0 : index
    tpu.barrier barrier_id(%barrier3A)
    %mul3A_3 = arith.constant 10000 : i32
    %mul3A_4 = arith.muli %add3A, %mul3A_3 : i32
    "tpu.region"() ({
      %run_scoped3A = tpu.sem_alloc : memref<!tpu.dma_semaphore, #tpu.memory_space<semaphore_mem>>
      %dma_start3A_16 = tpu.memref_slice %arg2[%mul3A_4] : memref<320000xi32, #tpu.memory_space<hbm>> -> memref<1000xi32, #tpu.memory_space<hbm>>
      %dma_start3A_17 = tpu.memref_slice %arg2[%mul3A_4] : memref<320000xi32, #tpu.memory_space<hbm>> -> memref<1000xi32, #tpu.memory_space<hbm>>
      tpu.enqueue_dma source(%dma_start3A_17 : memref<1000xi32, #tpu.memory_space<hbm>>) target(%arg7 : memref<1000xi32, #tpu.memory_space<vmem>>) target_semaphore(%run_scoped3A : memref<!tpu.dma_semaphore, #tpu.memory_space<semaphore_mem>>)
      %dma_wait3A = tpu.memref_slice %arg2[%mul3A_4] : memref<320000xi32, #tpu.memory_space<hbm>> -> memref<1000xi32, #tpu.memory_space<hbm>>
      %dma_wait3A_18 = tpu.memref_slice %arg2[%mul3A_4] : memref<320000xi32, #tpu.memory_space<hbm>> -> memref<1000xi32, #tpu.memory_space<hbm>>
      tpu.wait_dma2 semaphore(%run_scoped3A : memref<!tpu.dma_semaphore, #tpu.memory_space<semaphore_mem>>) src(%dma_wait3A_18 : memref<1000xi32, #tpu.memory_space<hbm>>) dst(%arg7 : memref<1000xi32, #tpu.memory_space<vmem>>)
      tpu.yield
    }) : () -> ()
    "tpu.region"() ({
      %run_scoped3A = tpu.sem_alloc : memref<!tpu.dma_semaphore, #tpu.memory_space<semaphore_mem>>
      %dma_start3A_16 = tpu.memref_slice %arg3[%mul3A_4] : memref<320000xi32, #tpu.memory_space<hbm>> -> memref<1000xi32, #tpu.memory_space<hbm>>
      %dma_start3A_17 = tpu.memref_slice %arg3[%mul3A_4] : memref<320000xi32, #tpu.memory_space<hbm>> -> memref<1000xi32, #tpu.memory_space<hbm>>
      tpu.enqueue_dma source(%dma_start3A_17 : memref<1000xi32, #tpu.memory_space<hbm>>) target(%arg9 : memref<1000xi32, #tpu.memory_space<vmem>>) target_semaphore(%run_scoped3A : memref<!tpu.dma_semaphore, #tpu.memory_space<semaphore_mem>>)
      %dma_wait3A = tpu.memref_slice %arg3[%mul3A_4] : memref<320000xi32, #tpu.memory_space<hbm>> -> memref<1000xi32, #tpu.memory_space<hbm>>
      %dma_wait3A_18 = tpu.memref_slice %arg3[%mul3A_4] : memref<320000xi32, #tpu.memory_space<hbm>> -> memref<1000xi32, #tpu.memory_space<hbm>>
      tpu.wait_dma2 semaphore(%run_scoped3A : memref<!tpu.dma_semaphore, #tpu.memory_space<semaphore_mem>>) src(%dma_wait3A_18 : memref<1000xi32, #tpu.memory_space<hbm>>) dst(%arg9 : memref<1000xi32, #tpu.memory_space<vmem>>)
      tpu.yield
    }) : () -> ()
    %dma_start3A = arith.constant 0 : i32
    %dma_start3A_5 = arith.constant 0 : i32
    %dma_start3A_6 = tpu.memref_slice %arg15[%dma_start3A, %dma_start3A_5] : memref<10240x16xf32, #tpu.memory_space<vmem_shared>> -> memref<10240x16xf32, #tpu.memory_space<vmem_shared>>
    tpu.enqueue_indirect_dma source(%dma_start3A_6 : memref<10240x16xf32, #tpu.memory_space<vmem_shared>>) target(%arg11 : memref<1000x16xf32, #tpu.memory_space<vmem>>) offsets(%arg7 : memref<1000xi32, #tpu.memory_space<vmem>>) semaphore(%arg16 : memref<!tpu.dma_semaphore, #tpu.memory_space<semaphore_mem>>)
    %dma_start3A_7 = arith.constant 0 : i32
    %dma_start3A_8 = arith.constant 0 : i32
    %dma_start3A_9 = tpu.memref_slice %arg15[%dma_start3A_7, %dma_start3A_8] : memref<10240x16xf32, #tpu.memory_space<vmem_shared>> -> memref<10240x16xf32, #tpu.memory_space<vmem_shared>>
    tpu.enqueue_indirect_dma source(%dma_start3A_9 : memref<10240x16xf32, #tpu.memory_space<vmem_shared>>) target(%arg13 : memref<1000x16xf32, #tpu.memory_space<vmem>>) offsets(%arg9 : memref<1000xi32, #tpu.memory_space<vmem>>) semaphore(%arg18 : memref<!tpu.dma_semaphore, #tpu.memory_space<semaphore_mem>>)
    %scan3A = arith.constant 0 : i32
    %scan3A_10 = arith.constant 0 : i32
    %scan3A_11 = arith.constant 5 : i32
    %scan3A_12 = arith.addi %scan3A_10, %scan3A_11 : i32
    %scan3A_13 = arith.constant 1 : i32
    %scan3A_14 = scf.for %scan3A_16 = %scan3A_10 to %scan3A_12 step %scan3A_13 iter_args(%scan3A_17 = %scan3A) -> (i32)  : i32 {
      %mul3A_18 = arith.constant 2 : i32
      %mul3A_19 = arith.muli %mul3A_18, %scan3A_16 : i32
      %mul3A_20 = arith.constant 1000 : i32
      %mul3A_21 = arith.muli %mul3A_19, %mul3A_20 : i32
      %add3A_22 = arith.addi %mul3A_4, %mul3A_21 : i32
      %add3A_23 = arith.constant 1000 : i32
      %add3A_24 = arith.addi %add3A_22, %add3A_23 : i32
      "tpu.region"() ({
        %run_scoped3A = tpu.sem_alloc : memref<!tpu.dma_semaphore, #tpu.memory_space<semaphore_mem>>
        %dma_start3A_49 = tpu.memref_slice %arg2[%add3A_24] : memref<320000xi32, #tpu.memory_space<hbm>> -> memref<1000xi32, #tpu.memory_space<hbm>>
        %dma_start3A_50 = tpu.memref_slice %arg2[%add3A_24] : memref<320000xi32, #tpu.memory_space<hbm>> -> memref<1000xi32, #tpu.memory_space<hbm>>
        tpu.enqueue_dma source(%dma_start3A_50 : memref<1000xi32, #tpu.memory_space<hbm>>) target(%arg8 : memref<1000xi32, #tpu.memory_space<vmem>>) target_semaphore(%run_scoped3A : memref<!tpu.dma_semaphore, #tpu.memory_space<semaphore_mem>>)
        %dma_wait3A_51 = tpu.memref_slice %arg2[%add3A_24] : memref<320000xi32, #tpu.memory_space<hbm>> -> memref<1000xi32, #tpu.memory_space<hbm>>
        %dma_wait3A_52 = tpu.memref_slice %arg2[%add3A_24] : memref<320000xi32, #tpu.memory_space<hbm>> -> memref<1000xi32, #tpu.memory_space<hbm>>
        tpu.wait_dma2 semaphore(%run_scoped3A : memref<!tpu.dma_semaphore, #tpu.memory_space<semaphore_mem>>) src(%dma_wait3A_52 : memref<1000xi32, #tpu.memory_space<hbm>>) dst(%arg8 : memref<1000xi32, #tpu.memory_space<vmem>>)
        tpu.yield
      }) : () -> ()
      "tpu.region"() ({
        %run_scoped3A = tpu.sem_alloc : memref<!tpu.dma_semaphore, #tpu.memory_space<semaphore_mem>>
        %dma_start3A_49 = tpu.memref_slice %arg3[%add3A_24] : memref<320000xi32, #tpu.memory_space<hbm>> -> memref<1000xi32, #tpu.memory_space<hbm>>
        %dma_start3A_50 = tpu.memref_slice %arg3[%add3A_24] : memref<320000xi32, #tpu.memory_space<hbm>> -> memref<1000xi32, #tpu.memory_space<hbm>>
        tpu.enqueue_dma source(%dma_start3A_50 : memref<1000xi32, #tpu.memory_space<hbm>>) target(%arg10 : memref<1000xi32, #tpu.memory_space<vmem>>) target_semaphore(%run_scoped3A : memref<!tpu.dma_semaphore, #tpu.memory_space<semaphore_mem>>)
        %dma_wait3A_51 = tpu.memref_slice %arg3[%add3A_24] : memref<320000xi32, #tpu.memory_space<hbm>> -> memref<1000xi32, #tpu.memory_space<hbm>>
        %dma_wait3A_52 = tpu.memref_slice %arg3[%add3A_24] : memref<320000xi32, #tpu.memory_space<hbm>> -> memref<1000xi32, #tpu.memory_space<hbm>>
        tpu.wait_dma2 semaphore(%run_scoped3A : memref<!tpu.dma_semaphore, #tpu.memory_space<semaphore_mem>>) src(%dma_wait3A_52 : memref<1000xi32, #tpu.memory_space<hbm>>) dst(%arg10 : memref<1000xi32, #tpu.memory_space<vmem>>)
        tpu.yield
      }) : () -> ()
      %dma_start3A_25 = arith.constant 0 : i32
      %dma_start3A_26 = arith.constant 0 : i32
      %dma_start3A_27 = tpu.memref_slice %arg15[%dma_start3A_25, %dma_start3A_26] : memref<10240x16xf32, #tpu.memory_space<vmem_shared>> -> memref<10240x16xf32, #tpu.memory_space<vmem_shared>>
      tpu.enqueue_indirect_dma source(%dma_start3A_27 : memref<10240x16xf32, #tpu.memory_space<vmem_shared>>) target(%arg12 : memref<1000x16xf32, #tpu.memory_space<vmem>>) offsets(%arg8 : memref<1000xi32, #tpu.memory_space<vmem>>) semaphore(%arg17 : memref<!tpu.dma_semaphore, #tpu.memory_space<semaphore_mem>>)
      %dma_start3A_28 = arith.constant 0 : i32
      %dma_start3A_29 = arith.constant 0 : i32
      %dma_start3A_30 = tpu.memref_slice %arg15[%dma_start3A_28, %dma_start3A_29] : memref<10240x16xf32, #tpu.memory_space<vmem_shared>> -> memref<10240x16xf32, #tpu.memory_space<vmem_shared>>
      tpu.enqueue_indirect_dma source(%dma_start3A_30 : memref<10240x16xf32, #tpu.memory_space<vmem_shared>>) target(%arg14 : memref<1000x16xf32, #tpu.memory_space<vmem>>) offsets(%arg10 : memref<1000xi32, #tpu.memory_space<vmem>>) semaphore(%arg19 : memref<!tpu.dma_semaphore, #tpu.memory_space<semaphore_mem>>)
      %dma_wait3A = arith.constant 0 : i32
      %dma_wait3A_31 = arith.constant 0 : i32
      %dma_wait3A_32 = tpu.memref_slice %arg15[%dma_wait3A, %dma_wait3A_31] : memref<10240x16xf32, #tpu.memory_space<vmem_shared>> -> memref<10240x16xf32, #tpu.memory_space<vmem_shared>>
      tpu.wait_indirect_dma semaphore(%arg16 : memref<!tpu.dma_semaphore, #tpu.memory_space<semaphore_mem>>) src(%dma_wait3A_32 : memref<10240x16xf32, #tpu.memory_space<vmem_shared>>) dst(%arg11 : memref<1000x16xf32, #tpu.memory_space<vmem>>)
      "tpu.region"() ({
        %run_scoped3A = tpu.sem_alloc : memref<!tpu.dma_semaphore, #tpu.memory_space<semaphore_mem>>
        %dma_start3A_49 = arith.constant 0 : i32
        %dma_start3A_50 = tpu.memref_slice %arg5[%add3A_22, %dma_start3A_49] : memref<320000x16xf32, #tpu.memory_space<hbm>> -> memref<1000x16xf32, #tpu.memory_space<hbm>>
        %dma_start3A_51 = arith.constant 0 : i32
        %dma_start3A_52 = tpu.memref_slice %arg5[%add3A_22, %dma_start3A_51] : memref<320000x16xf32, #tpu.memory_space<hbm>> -> memref<1000x16xf32, #tpu.memory_space<hbm>>
        tpu.enqueue_dma source(%arg11 : memref<1000x16xf32, #tpu.memory_space<vmem>>) target(%dma_start3A_52 : memref<1000x16xf32, #tpu.memory_space<hbm>>) target_semaphore(%run_scoped3A : memref<!tpu.dma_semaphore, #tpu.memory_space<semaphore_mem>>)
        %dma_wait3A_53 = arith.constant 0 : i32
        %dma_wait3A_54 = tpu.memref_slice %arg5[%add3A_22, %dma_wait3A_53] : memref<320000x16xf32, #tpu.memory_space<hbm>> -> memref<1000x16xf32, #tpu.memory_space<hbm>>
        %dma_wait3A_55 = arith.constant 0 : i32
        %dma_wait3A_56 = tpu.memref_slice %arg5[%add3A_22, %dma_wait3A_55] : memref<320000x16xf32, #tpu.memory_space<hbm>> -> memref<1000x16xf32, #tpu.memory_space<hbm>>
        tpu.wait_dma2 semaphore(%run_scoped3A : memref<!tpu.dma_semaphore, #tpu.memory_space<semaphore_mem>>) src(%arg11 : memref<1000x16xf32, #tpu.memory_space<vmem>>) dst(%dma_wait3A_56 : memref<1000x16xf32, #tpu.memory_space<hbm>>)
        tpu.yield
      }) : () -> ()
      %dma_wait3A_33 = arith.constant 0 : i32
      %dma_wait3A_34 = arith.constant 0 : i32
      %dma_wait3A_35 = tpu.memref_slice %arg15[%dma_wait3A_33, %dma_wait3A_34] : memref<10240x16xf32, #tpu.memory_space<vmem_shared>> -> memref<10240x16xf32, #tpu.memory_space<vmem_shared>>
      tpu.wait_indirect_dma semaphore(%arg18 : memref<!tpu.dma_semaphore, #tpu.memory_space<semaphore_mem>>) src(%dma_wait3A_35 : memref<10240x16xf32, #tpu.memory_space<vmem_shared>>) dst(%arg13 : memref<1000x16xf32, #tpu.memory_space<vmem>>)
      "tpu.region"() ({
        %run_scoped3A = tpu.sem_alloc : memref<!tpu.dma_semaphore, #tpu.memory_space<semaphore_mem>>
        %dma_start3A_49 = arith.constant 0 : i32
        %dma_start3A_50 = tpu.memref_slice %arg6[%add3A_22, %dma_start3A_49] : memref<320000x16xf32, #tpu.memory_space<hbm>> -> memref<1000x16xf32, #tpu.memory_space<hbm>>
        %dma_start3A_51 = arith.constant 0 : i32
        %dma_start3A_52 = tpu.memref_slice %arg6[%add3A_22, %dma_start3A_51] : memref<320000x16xf32, #tpu.memory_space<hbm>> -> memref<1000x16xf32, #tpu.memory_space<hbm>>
        tpu.enqueue_dma source(%arg13 : memref<1000x16xf32, #tpu.memory_space<vmem>>) target(%dma_start3A_52 : memref<1000x16xf32, #tpu.memory_space<hbm>>) target_semaphore(%run_scoped3A : memref<!tpu.dma_semaphore, #tpu.memory_space<semaphore_mem>>)
        %dma_wait3A_53 = arith.constant 0 : i32
        %dma_wait3A_54 = tpu.memref_slice %arg6[%add3A_22, %dma_wait3A_53] : memref<320000x16xf32, #tpu.memory_space<hbm>> -> memref<1000x16xf32, #tpu.memory_space<hbm>>
        %dma_wait3A_55 = arith.constant 0 : i32
        %dma_wait3A_56 = tpu.memref_slice %arg6[%add3A_22, %dma_wait3A_55] : memref<320000x16xf32, #tpu.memory_space<hbm>> -> memref<1000x16xf32, #tpu.memory_space<hbm>>
        tpu.wait_dma2 semaphore(%run_scoped3A : memref<!tpu.dma_semaphore, #tpu.memory_space<semaphore_mem>>) src(%arg13 : memref<1000x16xf32, #tpu.memory_space<vmem>>) dst(%dma_wait3A_56 : memref<1000x16xf32, #tpu.memory_space<hbm>>)
        tpu.yield
      }) : () -> ()
      %mul3A_36 = arith.constant 2 : i32
      %mul3A_37 = arith.muli %mul3A_36, %scan3A_16 : i32
      %add3A_38 = arith.constant 2 : i32
      %add3A_39 = arith.addi %mul3A_37, %add3A_38 : i32
      %lt3A = arith.constant 10 : i32
      %lt3A_40 = arith.cmpi slt, %add3A_39, %lt3A : i32
      %convert_element_type3A = arith.extui %lt3A_40 : i1 to i32
      %cond3A = arith.constant 0 : i32
      %cond3A_41 = arith.cmpi ne, %convert_element_type3A, %cond3A : i32
      scf.if %cond3A_41 {
        %add3A_49 = arith.constant 1000 : i32
        %add3A_50 = arith.addi %add3A_24, %add3A_49 : i32
        "tpu.region"() ({
          %run_scoped3A = tpu.sem_alloc : memref<!tpu.dma_semaphore, #tpu.memory_space<semaphore_mem>>
          %dma_start3A_57 = tpu.memref_slice %arg2[%add3A_50] : memref<320000xi32, #tpu.memory_space<hbm>> -> memref<1000xi32, #tpu.memory_space<hbm>>
          %dma_start3A_58 = tpu.memref_slice %arg2[%add3A_50] : memref<320000xi32, #tpu.memory_space<hbm>> -> memref<1000xi32, #tpu.memory_space<hbm>>
          tpu.enqueue_dma source(%dma_start3A_58 : memref<1000xi32, #tpu.memory_space<hbm>>) target(%arg7 : memref<1000xi32, #tpu.memory_space<vmem>>) target_semaphore(%run_scoped3A : memref<!tpu.dma_semaphore, #tpu.memory_space<semaphore_mem>>)
          %dma_wait3A_59 = tpu.memref_slice %arg2[%add3A_50] : memref<320000xi32, #tpu.memory_space<hbm>> -> memref<1000xi32, #tpu.memory_space<hbm>>
          %dma_wait3A_60 = tpu.memref_slice %arg2[%add3A_50] : memref<320000xi32, #tpu.memory_space<hbm>> -> memref<1000xi32, #tpu.memory_space<hbm>>
          tpu.wait_dma2 semaphore(%run_scoped3A : memref<!tpu.dma_semaphore, #tpu.memory_space<semaphore_mem>>) src(%dma_wait3A_60 : memref<1000xi32, #tpu.memory_space<hbm>>) dst(%arg7 : memref<1000xi32, #tpu.memory_space<vmem>>)
          tpu.yield
        }) : () -> ()
        "tpu.region"() ({
          %run_scoped3A = tpu.sem_alloc : memref<!tpu.dma_semaphore, #tpu.memory_space<semaphore_mem>>
          %dma_start3A_57 = tpu.memref_slice %arg3[%add3A_50] : memref<320000xi32, #tpu.memory_space<hbm>> -> memref<1000xi32, #tpu.memory_space<hbm>>
          %dma_start3A_58 = tpu.memref_slice %arg3[%add3A_50] : memref<320000xi32, #tpu.memory_space<hbm>> -> memref<1000xi32, #tpu.memory_space<hbm>>
          tpu.enqueue_dma source(%dma_start3A_58 : memref<1000xi32, #tpu.memory_space<hbm>>) target(%arg9 : memref<1000xi32, #tpu.memory_space<vmem>>) target_semaphore(%run_scoped3A : memref<!tpu.dma_semaphore, #tpu.memory_space<semaphore_mem>>)
          %dma_wait3A_59 = tpu.memref_slice %arg3[%add3A_50] : memref<320000xi32, #tpu.memory_space<hbm>> -> memref<1000xi32, #tpu.memory_space<hbm>>
          %dma_wait3A_60 = tpu.memref_slice %arg3[%add3A_50] : memref<320000xi32, #tpu.memory_space<hbm>> -> memref<1000xi32, #tpu.memory_space<hbm>>
          tpu.wait_dma2 semaphore(%run_scoped3A : memref<!tpu.dma_semaphore, #tpu.memory_space<semaphore_mem>>) src(%dma_wait3A_60 : memref<1000xi32, #tpu.memory_space<hbm>>) dst(%arg9 : memref<1000xi32, #tpu.memory_space<vmem>>)
          tpu.yield
        }) : () -> ()
        %dma_start3A_51 = arith.constant 0 : i32
        %dma_start3A_52 = arith.constant 0 : i32
        %dma_start3A_53 = tpu.memref_slice %arg15[%dma_start3A_51, %dma_start3A_52] : memref<10240x16xf32, #tpu.memory_space<vmem_shared>> -> memref<10240x16xf32, #tpu.memory_space<vmem_shared>>
        tpu.enqueue_indirect_dma source(%dma_start3A_53 : memref<10240x16xf32, #tpu.memory_space<vmem_shared>>) target(%arg11 : memref<1000x16xf32, #tpu.memory_space<vmem>>) offsets(%arg7 : memref<1000xi32, #tpu.memory_space<vmem>>) semaphore(%arg16 : memref<!tpu.dma_semaphore, #tpu.memory_space<semaphore_mem>>)
        %dma_start3A_54 = arith.constant 0 : i32
        %dma_start3A_55 = arith.constant 0 : i32
        %dma_start3A_56 = tpu.memref_slice %arg15[%dma_start3A_54, %dma_start3A_55] : memref<10240x16xf32, #tpu.memory_space<vmem_shared>> -> memref<10240x16xf32, #tpu.memory_space<vmem_shared>>
        tpu.enqueue_indirect_dma source(%dma_start3A_56 : memref<10240x16xf32, #tpu.memory_space<vmem_shared>>) target(%arg13 : memref<1000x16xf32, #tpu.memory_space<vmem>>) offsets(%arg9 : memref<1000xi32, #tpu.memory_space<vmem>>) semaphore(%arg18 : memref<!tpu.dma_semaphore, #tpu.memory_space<semaphore_mem>>)
      } else {
      }
      %dma_wait3A_42 = arith.constant 0 : i32
      %dma_wait3A_43 = arith.constant 0 : i32
      %dma_wait3A_44 = tpu.memref_slice %arg15[%dma_wait3A_42, %dma_wait3A_43] : memref<10240x16xf32, #tpu.memory_space<vmem_shared>> -> memref<10240x16xf32, #tpu.memory_space<vmem_shared>>
      tpu.wait_indirect_dma semaphore(%arg17 : memref<!tpu.dma_semaphore, #tpu.memory_space<semaphore_mem>>) src(%dma_wait3A_44 : memref<10240x16xf32, #tpu.memory_space<vmem_shared>>) dst(%arg12 : memref<1000x16xf32, #tpu.memory_space<vmem>>)
      "tpu.region"() ({
        %run_scoped3A = tpu.sem_alloc : memref<!tpu.dma_semaphore, #tpu.memory_space<semaphore_mem>>
        %dma_start3A_49 = arith.constant 0 : i32
        %dma_start3A_50 = tpu.memref_slice %arg5[%add3A_24, %dma_start3A_49] : memref<320000x16xf32, #tpu.memory_space<hbm>> -> memref<1000x16xf32, #tpu.memory_space<hbm>>
        %dma_start3A_51 = arith.constant 0 : i32
        %dma_start3A_52 = tpu.memref_slice %arg5[%add3A_24, %dma_start3A_51] : memref<320000x16xf32, #tpu.memory_space<hbm>> -> memref<1000x16xf32, #tpu.memory_space<hbm>>
        tpu.enqueue_dma source(%arg12 : memref<1000x16xf32, #tpu.memory_space<vmem>>) target(%dma_start3A_52 : memref<1000x16xf32, #tpu.memory_space<hbm>>) target_semaphore(%run_scoped3A : memref<!tpu.dma_semaphore, #tpu.memory_space<semaphore_mem>>)
        %dma_wait3A_53 = arith.constant 0 : i32
        %dma_wait3A_54 = tpu.memref_slice %arg5[%add3A_24, %dma_wait3A_53] : memref<320000x16xf32, #tpu.memory_space<hbm>> -> memref<1000x16xf32, #tpu.memory_space<hbm>>
        %dma_wait3A_55 = arith.constant 0 : i32
        %dma_wait3A_56 = tpu.memref_slice %arg5[%add3A_24, %dma_wait3A_55] : memref<320000x16xf32, #tpu.memory_space<hbm>> -> memref<1000x16xf32, #tpu.memory_space<hbm>>
        tpu.wait_dma2 semaphore(%run_scoped3A : memref<!tpu.dma_semaphore, #tpu.memory_space<semaphore_mem>>) src(%arg12 : memref<1000x16xf32, #tpu.memory_space<vmem>>) dst(%dma_wait3A_56 : memref<1000x16xf32, #tpu.memory_space<hbm>>)
        tpu.yield
      }) : () -> ()
      %dma_wait3A_45 = arith.constant 0 : i32
      %dma_wait3A_46 = arith.constant 0 : i32
      %dma_wait3A_47 = tpu.memref_slice %arg15[%dma_wait3A_45, %dma_wait3A_46] : memref<10240x16xf32, #tpu.memory_space<vmem_shared>> -> memref<10240x16xf32, #tpu.memory_space<vmem_shared>>
      tpu.wait_indirect_dma semaphore(%arg19 : memref<!tpu.dma_semaphore, #tpu.memory_space<semaphore_mem>>) src(%dma_wait3A_47 : memref<10240x16xf32, #tpu.memory_space<vmem_shared>>) dst(%arg14 : memref<1000x16xf32, #tpu.memory_space<vmem>>)
      "tpu.region"() ({
        %run_scoped3A = tpu.sem_alloc : memref<!tpu.dma_semaphore, #tpu.memory_space<semaphore_mem>>
        %dma_start3A_49 = arith.constant 0 : i32
        %dma_start3A_50 = tpu.memref_slice %arg6[%add3A_24, %dma_start3A_49] : memref<320000x16xf32, #tpu.memory_space<hbm>> -> memref<1000x16xf32, #tpu.memory_space<hbm>>
        %dma_start3A_51 = arith.constant 0 : i32
        %dma_start3A_52 = tpu.memref_slice %arg6[%add3A_24, %dma_start3A_51] : memref<320000x16xf32, #tpu.memory_space<hbm>> -> memref<1000x16xf32, #tpu.memory_space<hbm>>
        tpu.enqueue_dma source(%arg14 : memref<1000x16xf32, #tpu.memory_space<vmem>>) target(%dma_start3A_52 : memref<1000x16xf32, #tpu.memory_space<hbm>>) target_semaphore(%run_scoped3A : memref<!tpu.dma_semaphore, #tpu.memory_space<semaphore_mem>>)
        %dma_wait3A_53 = arith.constant 0 : i32
        %dma_wait3A_54 = tpu.memref_slice %arg6[%add3A_24, %dma_wait3A_53] : memref<320000x16xf32, #tpu.memory_space<hbm>> -> memref<1000x16xf32, #tpu.memory_space<hbm>>
        %dma_wait3A_55 = arith.constant 0 : i32
        %dma_wait3A_56 = tpu.memref_slice %arg6[%add3A_24, %dma_wait3A_55] : memref<320000x16xf32, #tpu.memory_space<hbm>> -> memref<1000x16xf32, #tpu.memory_space<hbm>>
        tpu.wait_dma2 semaphore(%run_scoped3A : memref<!tpu.dma_semaphore, #tpu.memory_space<semaphore_mem>>) src(%arg14 : memref<1000x16xf32, #tpu.memory_space<vmem>>) dst(%dma_wait3A_56 : memref<1000x16xf32, #tpu.memory_space<hbm>>)
        tpu.yield
      }) : () -> ()
      %scan3A_48 = arith.constant 0 : i32
      scf.yield %scan3A_48 : i32
    }
    %scan3A_15 = arith.constant 5 : i32
    return
  }
}

module attributes {stable_mosaic.version = 14 : i64} {
  func.func @_pre_body(%arg0: i32, %arg1: memref<2000x128xf32, #tpu.memory_space<vmem>>, %arg2: memref<2000x16xf32, #tpu.memory_space<vmem>>, %arg3: memref<128x128xf32, #tpu.memory_space<vmem>>, %arg4: memref<128x128xf32, #tpu.memory_space<vmem>>, %arg5: memref<16x128xf32, #tpu.memory_space<vmem>>, %arg6: memref<16x128xf32, #tpu.memory_space<vmem>>, %arg7: memref<16x128xf32, #tpu.memory_space<vmem>>, %arg8: memref<2000x128xf32, #tpu.memory_space<vmem>>, %arg9: memref<2000x128xf32, #tpu.memory_space<vmem>>, %arg10: memref<2000x128xf32, #tpu.memory_space<vmem>>) attributes {dimension_semantics = [#tpu.dimension_semantics<arbitrary>], iteration_bounds = array<i64: 5>, scalar_prefetch = 0 : i64, scratch_operands = 0 : i64, tpu.core_type = #tpu.core_type<tc>, window_params = [{transform_indices = @transform_0, window_bounds = array<i64: 2000, 128>}, {transform_indices = @transform_1, window_bounds = array<i64: 2000, 16>}, {pipeline_mode = #tpu.pipeline_mode<synchronous>, transform_indices = @transform_2, window_bounds = array<i64: 128, 128>}, {pipeline_mode = #tpu.pipeline_mode<synchronous>, transform_indices = @transform_3, window_bounds = array<i64: 128, 128>}, {pipeline_mode = #tpu.pipeline_mode<synchronous>, transform_indices = @transform_4, window_bounds = array<i64: 16, 128>}, {pipeline_mode = #tpu.pipeline_mode<synchronous>, transform_indices = @transform_5, window_bounds = array<i64: 16, 128>}, {pipeline_mode = #tpu.pipeline_mode<synchronous>, transform_indices = @transform_6, window_bounds = array<i64: 16, 128>}, {transform_indices = @transform_7, window_bounds = array<i64: 2000, 128>}, {transform_indices = @transform_8, window_bounds = array<i64: 2000, 128>}, {transform_indices = @transform_9, window_bounds = array<i64: 2000, 128>}]} {
    %get3A = arith.constant 0 : index
    %get3A_0 = arith.constant 0 : index
    %get3A_1 = vector.load %arg1[%get3A, %get3A_0] : memref<2000x128xf32, #tpu.memory_space<vmem>>, vector<2000x128xf32>
    %get3A_2 = arith.constant 0 : index
    %get3A_3 = arith.constant 0 : index
    %get3A_4 = vector.load %arg2[%get3A_2, %get3A_3] : memref<2000x16xf32, #tpu.memory_space<vmem>>, vector<2000x16xf32>
    %slice3A = vector.extract_strided_slice %get3A_4 {offsets = [0, 0], sizes = [2000, 4], strides = [1, 1]} : vector<2000x16xf32> to vector<2000x4xf32>
    %sign3A = tpu.bitcast %slice3A : vector<2000x4xf32> -> vector<2000x4xi32>
    %sign3A_5 = arith.constant -2147483648 : i32
    %sign3A_6 = vector.broadcast %sign3A_5 : i32 to vector<2000x4xi32>
    %sign3A_7 = arith.andi %sign3A, %sign3A_6 : vector<2000x4xi32>
    %sign3A_8 = arith.constant 1065353216 : i32
    %sign3A_9 = vector.broadcast %sign3A_8 : i32 to vector<2000x4xi32>
    %sign3A_10 = arith.ori %sign3A_9, %sign3A_7 : vector<2000x4xi32>
    %sign3A_11 = tpu.bitcast %sign3A_10 : vector<2000x4xi32> -> vector<2000x4xf32>
    %sign3A_12 = math.absf %slice3A : vector<2000x4xf32>
    %sign3A_13 = arith.constant 0.000000e+00 : f32
    %sign3A_14 = vector.broadcast %sign3A_13 : f32 to vector<2000x4xf32>
    %sign3A_15 = arith.cmpf ogt, %sign3A_12, %sign3A_14 : vector<2000x4xf32>
    %sign3A_16 = arith.select %sign3A_15, %sign3A_11, %slice3A : vector<2000x4xi1>, vector<2000x4xf32>
    %abs3A = math.absf %slice3A : vector<2000x4xf32>
    %log1p3A = math.log1p %abs3A : vector<2000x4xf32>
    %mul3A = arith.mulf %sign3A_16, %log1p3A : vector<2000x4xf32>
    %slice3A_17 = vector.extract_strided_slice %get3A_4 {offsets = [0, 4], sizes = [2000, 12], strides = [1, 1]} : vector<2000x16xf32> to vector<2000x12xf32>
    %concatenate3A = tpu.concatenate %mul3A, %slice3A_17 in 1 : vector<2000x4xf32>, vector<2000x12xf32> -> vector<2000x16xf32>
    %get3A_18 = arith.constant 0 : index
    %get3A_19 = arith.constant 0 : index
    %get3A_20 = vector.load %arg3[%get3A_18, %get3A_19] : memref<128x128xf32, #tpu.memory_space<vmem>>, vector<128x128xf32>
    %dot_general3A = arith.constant dense<0.000000e+00> : vector<2000x128xf32>
    %dot_general3A_21 = tpu.matmul %get3A_1, %get3A_20, %dot_general3A {dimension_numbers = #tpu.dot_dimension_numbers<[1], [0], [0], [1], [0, 0, 1, 1], [], []>, transpose_lhs_hint = false} : vector<2000x128xf32>, vector<128x128xf32>, vector<2000x128xf32> -> vector<2000x128xf32>
    %get3A_22 = arith.constant 0 : index
    %get3A_23 = arith.constant 0 : index
    %get3A_24 = vector.load %arg5[%get3A_22, %get3A_23] : memref<16x128xf32, #tpu.memory_space<vmem>>, vector<16x128xf32>
    %dot_general3A_25 = arith.constant dense<0.000000e+00> : vector<2000x128xf32>
    %dot_general3A_26 = tpu.matmul %concatenate3A, %get3A_24, %dot_general3A_25 {dimension_numbers = #tpu.dot_dimension_numbers<[1], [0], [0], [1], [0, 0, 1, 1], [], []>, transpose_lhs_hint = false} : vector<2000x16xf32>, vector<16x128xf32>, vector<2000x128xf32> -> vector<2000x128xf32>
    %add3A = arith.addf %dot_general3A_21, %dot_general3A_26 : vector<2000x128xf32>
    %swap3A = arith.constant 0 : index
    %swap3A_27 = arith.constant 0 : index
    %swap3A_28 = vector.load %arg8[%swap3A, %swap3A_27] : memref<2000x128xf32, #tpu.memory_space<vmem>>, vector<2000x128xf32>
    tpu.vector_store %arg8[%swap3A, %swap3A_27], %add3A {strides = array<i32>} : memref<2000x128xf32, #tpu.memory_space<vmem>>, vector<2000x128xf32>,
    %get3A_29 = arith.constant 0 : index
    %get3A_30 = arith.constant 0 : index
    %get3A_31 = vector.load %arg4[%get3A_29, %get3A_30] : memref<128x128xf32, #tpu.memory_space<vmem>>, vector<128x128xf32>
    %dot_general3A_32 = arith.constant dense<0.000000e+00> : vector<2000x128xf32>
    %dot_general3A_33 = tpu.matmul %get3A_1, %get3A_31, %dot_general3A_32 {dimension_numbers = #tpu.dot_dimension_numbers<[1], [0], [0], [1], [0, 0, 1, 1], [], []>, transpose_lhs_hint = false} : vector<2000x128xf32>, vector<128x128xf32>, vector<2000x128xf32> -> vector<2000x128xf32>
    %get3A_34 = arith.constant 0 : index
    %get3A_35 = arith.constant 0 : index
    %get3A_36 = vector.load %arg6[%get3A_34, %get3A_35] : memref<16x128xf32, #tpu.memory_space<vmem>>, vector<16x128xf32>
    %dot_general3A_37 = arith.constant dense<0.000000e+00> : vector<2000x128xf32>
    %dot_general3A_38 = tpu.matmul %concatenate3A, %get3A_36, %dot_general3A_37 {dimension_numbers = #tpu.dot_dimension_numbers<[1], [0], [0], [1], [0, 0, 1, 1], [], []>, transpose_lhs_hint = false} : vector<2000x16xf32>, vector<16x128xf32>, vector<2000x128xf32> -> vector<2000x128xf32>
    %add3A_39 = arith.addf %dot_general3A_33, %dot_general3A_38 : vector<2000x128xf32>
    %swap3A_40 = arith.constant 0 : index
    %swap3A_41 = arith.constant 0 : index
    %swap3A_42 = vector.load %arg9[%swap3A_40, %swap3A_41] : memref<2000x128xf32, #tpu.memory_space<vmem>>, vector<2000x128xf32>
    tpu.vector_store %arg9[%swap3A_40, %swap3A_41], %add3A_39 {strides = array<i32>} : memref<2000x128xf32, #tpu.memory_space<vmem>>, vector<2000x128xf32>,
    %get3A_43 = arith.constant 0 : index
    %get3A_44 = arith.constant 0 : index
    %get3A_45 = vector.load %arg7[%get3A_43, %get3A_44] : memref<16x128xf32, #tpu.memory_space<vmem>>, vector<16x128xf32>
    %dot_general3A_46 = arith.constant dense<0.000000e+00> : vector<2000x128xf32>
    %dot_general3A_47 = tpu.matmul %concatenate3A, %get3A_45, %dot_general3A_46 {dimension_numbers = #tpu.dot_dimension_numbers<[1], [0], [0], [1], [0, 0, 1, 1], [], []>, transpose_lhs_hint = false} : vector<2000x16xf32>, vector<16x128xf32>, vector<2000x128xf32> -> vector<2000x128xf32>
    %swap3A_48 = arith.constant 0 : index
    %swap3A_49 = arith.constant 0 : index
    %swap3A_50 = vector.load %arg10[%swap3A_48, %swap3A_49] : memref<2000x128xf32, #tpu.memory_space<vmem>>, vector<2000x128xf32>
    tpu.vector_store %arg10[%swap3A_48, %swap3A_49], %dot_general3A_47 {strides = array<i32>} : memref<2000x128xf32, #tpu.memory_space<vmem>>, vector<2000x128xf32>,
    return
  }
  func.func @transform_0(%arg0: i32) -> (i32, i32) {
    %c0_i32 = arith.constant 0 : i32
    %c0_i32_0 = arith.constant 0 : i32
    return %arg0, %c0_i32 : i32, i32
  }
  func.func @transform_1(%arg0: i32) -> (i32, i32) {
    %c0_i32 = arith.constant 0 : i32
    %c0_i32_0 = arith.constant 0 : i32
    return %arg0, %c0_i32 : i32, i32
  }
  func.func @transform_2(%arg0: i32) -> (i32, i32) {
    %c0_i32 = arith.constant 0 : i32
    %c0_i32_0 = arith.constant 0 : i32
    %c0_i32_1 = arith.constant 0 : i32
    return %c0_i32, %c0_i32_0 : i32, i32
  }
  func.func @transform_3(%arg0: i32) -> (i32, i32) {
    %c0_i32 = arith.constant 0 : i32
    %c0_i32_0 = arith.constant 0 : i32
    %c0_i32_1 = arith.constant 0 : i32
    return %c0_i32, %c0_i32_0 : i32, i32
  }
  func.func @transform_4(%arg0: i32) -> (i32, i32) {
    %c0_i32 = arith.constant 0 : i32
    %c0_i32_0 = arith.constant 0 : i32
    %c0_i32_1 = arith.constant 0 : i32
    return %c0_i32, %c0_i32_0 : i32, i32
  }
  func.func @transform_5(%arg0: i32) -> (i32, i32) {
    %c0_i32 = arith.constant 0 : i32
    %c0_i32_0 = arith.constant 0 : i32
    %c0_i32_1 = arith.constant 0 : i32
    return %c0_i32, %c0_i32_0 : i32, i32
  }
  func.func @transform_6(%arg0: i32) -> (i32, i32) {
    %c0_i32 = arith.constant 0 : i32
    %c0_i32_0 = arith.constant 0 : i32
    %c0_i32_1 = arith.constant 0 : i32
    return %c0_i32, %c0_i32_0 : i32, i32
  }
  func.func @transform_7(%arg0: i32) -> (i32, i32) {
    %c0_i32 = arith.constant 0 : i32
    %c0_i32_0 = arith.constant 0 : i32
    return %arg0, %c0_i32 : i32, i32
  }
  func.func @transform_8(%arg0: i32) -> (i32, i32) {
    %c0_i32 = arith.constant 0 : i32
    %c0_i32_0 = arith.constant 0 : i32
    return %arg0, %c0_i32 : i32, i32
  }
  func.func @transform_9(%arg0: i32) -> (i32, i32) {
    %c0_i32 = arith.constant 0 : i32
    %c0_i32_0 = arith.constant 0 : i32
    return %arg0, %c0_i32 : i32, i32
  }
}

module attributes {stable_mosaic.version = 14 : i64} {
  func.func @_edge_body(%arg0: i32, %arg1: memref<8000x128xf32, #tpu.memory_space<vmem>>, %arg2: memref<8000x128xf32, #tpu.memory_space<vmem>>, %arg3: memref<1000x128xf32, #tpu.memory_space<vmem>>, %arg4: memref<1000x128xf32, #tpu.memory_space<vmem>>, %arg5: memref<1000x128xf32, #tpu.memory_space<vmem>>, %arg6: memref<256x1024xf32, #tpu.memory_space<vmem>>, %arg7: memref<128x128xf32, #tpu.memory_space<vmem>>, %arg8: memref<1x128xf32, #tpu.memory_space<vmem>>, %arg9: memref<8000x128xf32, #tpu.memory_space<vmem>>) attributes {dimension_semantics = [#tpu.dimension_semantics<arbitrary>], iteration_bounds = array<i64: 40>, scalar_prefetch = 0 : i64, scratch_operands = 0 : i64, tpu.core_type = #tpu.core_type<tc>, window_params = [{transform_indices = @transform_0, window_bounds = array<i64: 8000, 128>}, {transform_indices = @transform_1, window_bounds = array<i64: 8000, 128>}, {transform_indices = @transform_2, window_bounds = array<i64: 1000, 128>}, {transform_indices = @transform_3, window_bounds = array<i64: 1000, 128>}, {transform_indices = @transform_4, window_bounds = array<i64: 1000, 128>}, {pipeline_mode = #tpu.pipeline_mode<synchronous>, transform_indices = @transform_5, window_bounds = array<i64: 256, 1024>}, {pipeline_mode = #tpu.pipeline_mode<synchronous>, transform_indices = @transform_6, window_bounds = array<i64: 128, 128>}, {pipeline_mode = #tpu.pipeline_mode<synchronous>, transform_indices = @transform_7, window_bounds = array<i64: 1, 128>}, {transform_indices = @transform_8, window_bounds = array<i64: 8000, 128>}]} {
    %get3A = arith.constant 0 : index
    %get3A_0 = arith.constant 0 : index
    %get3A_1 = vector.load %arg3[%get3A, %get3A_0] : memref<1000x128xf32, #tpu.memory_space<vmem>>, vector<1000x128xf32>
    %get3A_2 = arith.constant 0 : index
    %get3A_3 = arith.constant 0 : index
    %get3A_4 = vector.load %arg4[%get3A_2, %get3A_3] : memref<1000x128xf32, #tpu.memory_space<vmem>>, vector<1000x128xf32>
    %iota3A = tpu.iota {dimensions = array<i32: 1>} : vector<1000x128xi32>
    %and3A = arith.constant 15 : i32
    %and3A_5 = vector.broadcast %and3A : i32 to vector<1000x128xi32>
    %and3A_6 = arith.andi %iota3A, %and3A_5 : vector<1000x128xi32>
    %add3A = arith.addf %get3A_1, %get3A_4 : vector<1000x128xf32>
    %sub3A = arith.subf %get3A_4, %get3A_1 : vector<1000x128xf32>
    %abs3A = math.absf %sub3A : vector<1000x128xf32>
    %mul3A = arith.mulf %get3A_1, %get3A_4 : vector<1000x128xf32>
    %mul3A_7 = arith.mulf %sub3A, %sub3A : vector<1000x128xf32>
    %mul3A_8 = arith.mulf %get3A_1, %get3A_1 : vector<1000x128xf32>
    %mul3A_9 = arith.mulf %get3A_4, %get3A_4 : vector<1000x128xf32>
    %lt3A = arith.constant 4 : i32
    %lt3A_10 = vector.broadcast %lt3A : i32 to vector<1000x128xi32>
    %lt3A_11 = arith.cmpi slt, %and3A_6, %lt3A_10 : vector<1000x128xi32>
    %lt3A_12 = arith.constant 8 : i32
    %lt3A_13 = vector.broadcast %lt3A_12 : i32 to vector<1000x128xi32>
    %lt3A_14 = arith.cmpi slt, %and3A_6, %lt3A_13 : vector<1000x128xi32>
    %roll3A = arith.constant 4 : i32
    %roll3A_15 = tpu.dynamic_rotate %mul3A_7 by %roll3A dim 1 : vector<1000x128xf32>, i32 -> vector<1000x128xf32>
    %lt3A_16 = arith.constant 12 : i32
    %lt3A_17 = vector.broadcast %lt3A_16 : i32 to vector<1000x128xi32>
    %lt3A_18 = arith.cmpi slt, %and3A_6, %lt3A_17 : vector<1000x128xi32>
    %roll3A_19 = arith.constant 8 : i32
    %roll3A_20 = tpu.dynamic_rotate %mul3A_8 by %roll3A_19 dim 1 : vector<1000x128xf32>, i32 -> vector<1000x128xf32>
    %roll3A_21 = arith.constant 12 : i32
    %roll3A_22 = tpu.dynamic_rotate %mul3A_9 by %roll3A_21 dim 1 : vector<1000x128xf32>, i32 -> vector<1000x128xf32>
    %select_n3A = arith.select %lt3A_18, %roll3A_20, %roll3A_22 : vector<1000x128xi1>, vector<1000x128xf32>
    %select_n3A_23 = arith.select %lt3A_14, %roll3A_15, %select_n3A : vector<1000x128xi1>, vector<1000x128xf32>
    %select_n3A_24 = arith.select %lt3A_11, %mul3A, %select_n3A_23 : vector<1000x128xi1>, vector<1000x128xf32>
    %roll3A_25 = arith.constant 127 : i32
    %roll3A_26 = tpu.dynamic_rotate %select_n3A_24 by %roll3A_25 dim 1 : vector<1000x128xf32>, i32 -> vector<1000x128xf32>
    %add3A_27 = arith.addf %select_n3A_24, %roll3A_26 : vector<1000x128xf32>
    %roll3A_28 = arith.constant 126 : i32
    %roll3A_29 = tpu.dynamic_rotate %add3A_27 by %roll3A_28 dim 1 : vector<1000x128xf32>, i32 -> vector<1000x128xf32>
    %add3A_30 = arith.addf %add3A_27, %roll3A_29 : vector<1000x128xf32>
    %lt3A_31 = arith.constant 4 : i32
    %lt3A_32 = vector.broadcast %lt3A_31 : i32 to vector<1000x128xi32>
    %lt3A_33 = arith.cmpi slt, %and3A_6, %lt3A_32 : vector<1000x128xi32>
    %eq3A = arith.constant 4 : i32
    %eq3A_34 = vector.broadcast %eq3A : i32 to vector<1000x128xi32>
    %eq3A_35 = arith.cmpi eq, %and3A_6, %eq3A_34 : vector<1000x128xi32>
    %roll3A_36 = arith.constant 4 : i32
    %roll3A_37 = tpu.dynamic_rotate %add3A_30 by %roll3A_36 dim 1 : vector<1000x128xf32>, i32 -> vector<1000x128xf32>
    %eq3A_38 = arith.constant 5 : i32
    %eq3A_39 = vector.broadcast %eq3A_38 : i32 to vector<1000x128xi32>
    %eq3A_40 = arith.cmpi eq, %and3A_6, %eq3A_39 : vector<1000x128xi32>
    %roll3A_41 = arith.constant 1 : i32
    %roll3A_42 = tpu.dynamic_rotate %add3A_30 by %roll3A_41 dim 1 : vector<1000x128xf32>, i32 -> vector<1000x128xf32>
    %eq3A_43 = arith.constant 6 : i32
    %eq3A_44 = vector.broadcast %eq3A_43 : i32 to vector<1000x128xi32>
    %eq3A_45 = arith.cmpi eq, %and3A_6, %eq3A_44 : vector<1000x128xi32>
    %roll3A_46 = arith.constant 126 : i32
    %roll3A_47 = tpu.dynamic_rotate %add3A_30 by %roll3A_46 dim 1 : vector<1000x128xf32>, i32 -> vector<1000x128xf32>
    %eq3A_48 = arith.constant 7 : i32
    %eq3A_49 = vector.broadcast %eq3A_48 : i32 to vector<1000x128xi32>
    %eq3A_50 = arith.cmpi eq, %and3A_6, %eq3A_49 : vector<1000x128xi32>
    %roll3A_51 = arith.constant 123 : i32
    %roll3A_52 = tpu.dynamic_rotate %add3A_30 by %roll3A_51 dim 1 : vector<1000x128xf32>, i32 -> vector<1000x128xf32>
    %roll3A_53 = arith.constant 8 : i32
    %roll3A_54 = tpu.dynamic_rotate %abs3A by %roll3A_53 dim 1 : vector<1000x128xf32>, i32 -> vector<1000x128xf32>
    %select_n3A_55 = arith.select %eq3A_50, %roll3A_52, %roll3A_54 : vector<1000x128xi1>, vector<1000x128xf32>
    %select_n3A_56 = arith.select %eq3A_45, %roll3A_47, %select_n3A_55 : vector<1000x128xi1>, vector<1000x128xf32>
    %select_n3A_57 = arith.select %eq3A_40, %roll3A_42, %select_n3A_56 : vector<1000x128xi1>, vector<1000x128xf32>
    %select_n3A_58 = arith.select %eq3A_35, %roll3A_37, %select_n3A_57 : vector<1000x128xi1>, vector<1000x128xf32>
    %select_n3A_59 = arith.select %lt3A_33, %add3A, %select_n3A_58 : vector<1000x128xi1>, vector<1000x128xf32>
    %sign3A = tpu.bitcast %select_n3A_59 : vector<1000x128xf32> -> vector<1000x128xi32>
    %sign3A_60 = arith.constant -2147483648 : i32
    %sign3A_61 = vector.broadcast %sign3A_60 : i32 to vector<1000x128xi32>
    %sign3A_62 = arith.andi %sign3A, %sign3A_61 : vector<1000x128xi32>
    %sign3A_63 = arith.constant 1065353216 : i32
    %sign3A_64 = vector.broadcast %sign3A_63 : i32 to vector<1000x128xi32>
    %sign3A_65 = arith.ori %sign3A_64, %sign3A_62 : vector<1000x128xi32>
    %sign3A_66 = tpu.bitcast %sign3A_65 : vector<1000x128xi32> -> vector<1000x128xf32>
    %sign3A_67 = math.absf %select_n3A_59 : vector<1000x128xf32>
    %sign3A_68 = arith.constant 0.000000e+00 : f32
    %sign3A_69 = vector.broadcast %sign3A_68 : f32 to vector<1000x128xf32>
    %sign3A_70 = arith.cmpf ogt, %sign3A_67, %sign3A_69 : vector<1000x128xf32>
    %sign3A_71 = arith.select %sign3A_70, %sign3A_66, %select_n3A_59 : vector<1000x128xi1>, vector<1000x128xf32>
    %abs3A_72 = math.absf %select_n3A_59 : vector<1000x128xf32>
    %log1p3A = math.log1p %abs3A_72 : vector<1000x128xf32>
    %mul3A_73 = arith.mulf %sign3A_71, %log1p3A : vector<1000x128xf32>
    %get3A_74 = arith.constant 0 : index
    %get3A_75 = arith.constant 0 : index
    %get3A_76 = vector.load %arg5[%get3A_74, %get3A_75] : memref<1000x128xf32, #tpu.memory_space<vmem>>, vector<1000x128xf32>
    %concatenate3A = tpu.concatenate %mul3A_73, %get3A_76 in 1 : vector<1000x128xf32>, vector<1000x128xf32> -> vector<1000x256xf32>
    %get3A_77 = arith.constant 0 : index
    %get3A_78 = arith.constant 0 : index
    %get3A_79 = vector.load %arg6[%get3A_77, %get3A_78] : memref<256x1024xf32, #tpu.memory_space<vmem>>, vector<256x1024xf32>
    %dot_general3A = arith.constant dense<0.000000e+00> : vector<1000x1024xf32>
    %dot_general3A_80 = tpu.matmul %concatenate3A, %get3A_79, %dot_general3A {dimension_numbers = #tpu.dot_dimension_numbers<[1], [0], [0], [1], [0, 0, 1, 1], [], []>, transpose_lhs_hint = false} : vector<1000x256xf32>, vector<256x1024xf32>, vector<1000x1024xf32> -> vector<1000x1024xf32>
    %reshape3A = vector.shape_cast %dot_general3A_80 : vector<1000x1024xf32> to vector<1000x8x128xf32>
    %reshape3A_81 = vector.shape_cast %reshape3A : vector<1000x8x128xf32> to vector<8000x128xf32>
    %get3A_82 = arith.constant 0 : index
    %get3A_83 = arith.constant 0 : index
    %get3A_84 = vector.load %arg1[%get3A_82, %get3A_83] : memref<8000x128xf32, #tpu.memory_space<vmem>>, vector<8000x128xf32>
    %get3A_85 = arith.constant 0 : index
    %get3A_86 = arith.constant 0 : index
    %get3A_87 = vector.load %arg2[%get3A_85, %get3A_86] : memref<8000x128xf32, #tpu.memory_space<vmem>>, vector<8000x128xf32>
    %add3A_88 = arith.addf %get3A_84, %get3A_87 : vector<8000x128xf32>
    %add3A_89 = arith.addf %add3A_88, %reshape3A_81 : vector<8000x128xf32>
    %logistic3A = arith.negf %add3A_89 : vector<8000x128xf32>
    %logistic3A_90 = math.exp %logistic3A : vector<8000x128xf32>
    %logistic3A_91 = arith.constant 1.000000e+00 : f32
    %logistic3A_92 = vector.broadcast %logistic3A_91 : f32 to vector<8000x128xf32>
    %logistic3A_93 = arith.addf %logistic3A_92, %logistic3A_90 : vector<8000x128xf32>
    %logistic3A_94 = arith.divf %logistic3A_92, %logistic3A_93 : vector<8000x128xf32>
    %mul3A_95 = arith.mulf %add3A_89, %logistic3A_94 : vector<8000x128xf32>
    %get3A_96 = arith.constant 0 : index
    %get3A_97 = arith.constant 0 : index
    %get3A_98 = vector.load %arg7[%get3A_96, %get3A_97] : memref<128x128xf32, #tpu.memory_space<vmem>>, vector<128x128xf32>
    %dot_general3A_99 = arith.constant dense<0.000000e+00> : vector<8000x128xf32>
    %dot_general3A_100 = tpu.matmul %mul3A_95, %get3A_98, %dot_general3A_99 {dimension_numbers = #tpu.dot_dimension_numbers<[1], [0], [0], [1], [0, 0, 1, 1], [], []>, transpose_lhs_hint = false} : vector<8000x128xf32>, vector<128x128xf32>, vector<8000x128xf32> -> vector<8000x128xf32>
    %get3A_101 = arith.constant 0 : index
    %get3A_102 = arith.constant 0 : index
    %get3A_103 = vector.load %arg8[%get3A_101, %get3A_102] : memref<1x128xf32, #tpu.memory_space<vmem>>, vector<1x128xf32>
    %add3A_104 = vector.broadcast %get3A_103 : vector<1x128xf32> to vector<8000x128xf32>
    %add3A_105 = arith.addf %dot_general3A_100, %add3A_104 : vector<8000x128xf32>
    %logistic3A_106 = arith.negf %add3A_105 : vector<8000x128xf32>
    %logistic3A_107 = math.exp %logistic3A_106 : vector<8000x128xf32>
    %logistic3A_108 = arith.constant 1.000000e+00 : f32
    %logistic3A_109 = vector.broadcast %logistic3A_108 : f32 to vector<8000x128xf32>
    %logistic3A_110 = arith.addf %logistic3A_109, %logistic3A_107 : vector<8000x128xf32>
    %logistic3A_111 = arith.divf %logistic3A_109, %logistic3A_110 : vector<8000x128xf32>
    %mul3A_112 = arith.mulf %add3A_105, %logistic3A_111 : vector<8000x128xf32>
    %swap3A = arith.constant 0 : index
    %swap3A_113 = arith.constant 0 : index
    %swap3A_114 = vector.load %arg9[%swap3A, %swap3A_113] : memref<8000x128xf32, #tpu.memory_space<vmem>>, vector<8000x128xf32>
    tpu.vector_store %arg9[%swap3A, %swap3A_113], %mul3A_112 {strides = array<i32>} : memref<8000x128xf32, #tpu.memory_space<vmem>>, vector<8000x128xf32>,
    return
  }
  func.func @transform_0(%arg0: i32) -> (i32, i32) {
    %c0_i32 = arith.constant 0 : i32
    %c0_i32_0 = arith.constant 0 : i32
    return %arg0, %c0_i32 : i32, i32
  }
  func.func @transform_1(%arg0: i32) -> (i32, i32) {
    %c0_i32 = arith.constant 0 : i32
    %c0_i32_0 = arith.constant 0 : i32
    return %arg0, %c0_i32 : i32, i32
  }
  func.func @transform_2(%arg0: i32) -> (i32, i32) {
    %c0_i32 = arith.constant 0 : i32
    %c0_i32_0 = arith.constant 0 : i32
    return %arg0, %c0_i32 : i32, i32
  }
  func.func @transform_3(%arg0: i32) -> (i32, i32) {
    %c0_i32 = arith.constant 0 : i32
    %c0_i32_0 = arith.constant 0 : i32
    return %arg0, %c0_i32 : i32, i32
  }
  func.func @transform_4(%arg0: i32) -> (i32, i32) {
    %c0_i32 = arith.constant 0 : i32
    %c0_i32_0 = arith.constant 0 : i32
    return %arg0, %c0_i32 : i32, i32
  }
  func.func @transform_5(%arg0: i32) -> (i32, i32) {
    %c0_i32 = arith.constant 0 : i32
    %c0_i32_0 = arith.constant 0 : i32
    %c0_i32_1 = arith.constant 0 : i32
    return %c0_i32, %c0_i32_0 : i32, i32
  }
  func.func @transform_6(%arg0: i32) -> (i32, i32) {
    %c0_i32 = arith.constant 0 : i32
    %c0_i32_0 = arith.constant 0 : i32
    %c0_i32_1 = arith.constant 0 : i32
    return %c0_i32, %c0_i32_0 : i32, i32
  }
  func.func @transform_7(%arg0: i32) -> (i32, i32) {
    %c0_i32 = arith.constant 0 : i32
    %c0_i32_0 = arith.constant 0 : i32
    %c0_i32_1 = arith.constant 0 : i32
    return %c0_i32, %c0_i32_0 : i32, i32
  }
  func.func @transform_8(%arg0: i32) -> (i32, i32) {
    %c0_i32 = arith.constant 0 : i32
    %c0_i32_0 = arith.constant 0 : i32
    return %arg0, %c0_i32 : i32, i32
  }
}

module attributes {stable_mosaic.version = 14 : i64} {
  func.func @_node_body(%arg0: i32, %arg1: memref<2000x128xf32, #tpu.memory_space<vmem>>, %arg2: memref<1x2000x128xf32, #tpu.memory_space<vmem>>, %arg3: memref<1x2000x128xf32, #tpu.memory_space<vmem>>, %arg4: memref<2000x128xf32, #tpu.memory_space<vmem>>, %arg5: memref<128x128xf32, #tpu.memory_space<vmem>>, %arg6: memref<128x128xf32, #tpu.memory_space<vmem>>, %arg7: memref<128x128xf32, #tpu.memory_space<vmem>>, %arg8: memref<1x128xf32, #tpu.memory_space<vmem>>, %arg9: memref<1x128xf32, #tpu.memory_space<vmem>>, %arg10: memref<1x128xf32, #tpu.memory_space<vmem>>, %arg11: memref<2000x128xf32, #tpu.memory_space<vmem>>) attributes {dimension_semantics = [#tpu.dimension_semantics<arbitrary>], iteration_bounds = array<i64: 5>, scalar_prefetch = 0 : i64, scratch_operands = 0 : i64, tpu.core_type = #tpu.core_type<tc>, window_params = [{transform_indices = @transform_0, window_bounds = array<i64: 2000, 128>}, {transform_indices = @transform_1, window_bounds = array<i64: 1, 2000, 128>}, {transform_indices = @transform_2, window_bounds = array<i64: 1, 2000, 128>}, {transform_indices = @transform_3, window_bounds = array<i64: 2000, 128>}, {pipeline_mode = #tpu.pipeline_mode<synchronous>, transform_indices = @transform_4, window_bounds = array<i64: 128, 128>}, {pipeline_mode = #tpu.pipeline_mode<synchronous>, transform_indices = @transform_5, window_bounds = array<i64: 128, 128>}, {pipeline_mode = #tpu.pipeline_mode<synchronous>, transform_indices = @transform_6, window_bounds = array<i64: 128, 128>}, {pipeline_mode = #tpu.pipeline_mode<synchronous>, transform_indices = @transform_7, window_bounds = array<i64: 1, 128>}, {pipeline_mode = #tpu.pipeline_mode<synchronous>, transform_indices = @transform_8, window_bounds = array<i64: 1, 128>}, {pipeline_mode = #tpu.pipeline_mode<synchronous>, transform_indices = @transform_9, window_bounds = array<i64: 1, 128>}, {transform_indices = @transform_10, window_bounds = array<i64: 2000, 128>}]} {
    %get3A = arith.constant 0 : index
    %get3A_0 = arith.constant 0 : index
    %get3A_1 = arith.constant 0 : index
    %get3A_2 = vector.load %arg2[%get3A, %get3A_0, %get3A_1] : memref<1x2000x128xf32, #tpu.memory_space<vmem>>, vector<1x2000x128xf32>
    %get3A_3 = vector.shape_cast %get3A_2 : vector<1x2000x128xf32> to vector<2000x128xf32>
    %get3A_4 = arith.constant 0 : index
    %get3A_5 = arith.constant 0 : index
    %get3A_6 = arith.constant 0 : index
    %get3A_7 = vector.load %arg3[%get3A_4, %get3A_5, %get3A_6] : memref<1x2000x128xf32, #tpu.memory_space<vmem>>, vector<1x2000x128xf32>
    %get3A_8 = vector.shape_cast %get3A_7 : vector<1x2000x128xf32> to vector<2000x128xf32>
    %add3A = arith.addf %get3A_3, %get3A_8 : vector<2000x128xf32>
    %get3A_9 = arith.constant 0 : index
    %get3A_10 = arith.constant 0 : index
    %get3A_11 = vector.load %arg1[%get3A_9, %get3A_10] : memref<2000x128xf32, #tpu.memory_space<vmem>>, vector<2000x128xf32>
    %get3A_12 = arith.constant 0 : index
    %get3A_13 = arith.constant 0 : index
    %get3A_14 = vector.load %arg5[%get3A_12, %get3A_13] : memref<128x128xf32, #tpu.memory_space<vmem>>, vector<128x128xf32>
    %dot_general3A = arith.constant dense<0.000000e+00> : vector<2000x128xf32>
    %dot_general3A_15 = tpu.matmul %get3A_11, %get3A_14, %dot_general3A {dimension_numbers = #tpu.dot_dimension_numbers<[1], [0], [0], [1], [0, 0, 1, 1], [], []>, transpose_lhs_hint = false} : vector<2000x128xf32>, vector<128x128xf32>, vector<2000x128xf32> -> vector<2000x128xf32>
    %get3A_16 = arith.constant 0 : index
    %get3A_17 = arith.constant 0 : index
    %get3A_18 = vector.load %arg6[%get3A_16, %get3A_17] : memref<128x128xf32, #tpu.memory_space<vmem>>, vector<128x128xf32>
    %dot_general3A_19 = arith.constant dense<0.000000e+00> : vector<2000x128xf32>
    %dot_general3A_20 = tpu.matmul %add3A, %get3A_18, %dot_general3A_19 {dimension_numbers = #tpu.dot_dimension_numbers<[1], [0], [0], [1], [0, 0, 1, 1], [], []>, transpose_lhs_hint = false} : vector<2000x128xf32>, vector<128x128xf32>, vector<2000x128xf32> -> vector<2000x128xf32>
    %add3A_21 = arith.addf %dot_general3A_15, %dot_general3A_20 : vector<2000x128xf32>
    %get3A_22 = arith.constant 0 : index
    %get3A_23 = arith.constant 0 : index
    %get3A_24 = vector.load %arg4[%get3A_22, %get3A_23] : memref<2000x128xf32, #tpu.memory_space<vmem>>, vector<2000x128xf32>
    %add3A_25 = arith.addf %add3A_21, %get3A_24 : vector<2000x128xf32>
    %logistic3A = arith.negf %add3A_25 : vector<2000x128xf32>
    %logistic3A_26 = math.exp %logistic3A : vector<2000x128xf32>
    %logistic3A_27 = arith.constant 1.000000e+00 : f32
    %logistic3A_28 = vector.broadcast %logistic3A_27 : f32 to vector<2000x128xf32>
    %logistic3A_29 = arith.addf %logistic3A_28, %logistic3A_26 : vector<2000x128xf32>
    %logistic3A_30 = arith.divf %logistic3A_28, %logistic3A_29 : vector<2000x128xf32>
    %mul3A = arith.mulf %add3A_25, %logistic3A_30 : vector<2000x128xf32>
    %get3A_31 = arith.constant 0 : index
    %get3A_32 = arith.constant 0 : index
    %get3A_33 = vector.load %arg1[%get3A_31, %get3A_32] : memref<2000x128xf32, #tpu.memory_space<vmem>>, vector<2000x128xf32>
    %get3A_34 = arith.constant 0 : index
    %get3A_35 = arith.constant 0 : index
    %get3A_36 = vector.load %arg7[%get3A_34, %get3A_35] : memref<128x128xf32, #tpu.memory_space<vmem>>, vector<128x128xf32>
    %dot_general3A_37 = arith.constant dense<0.000000e+00> : vector<2000x128xf32>
    %dot_general3A_38 = tpu.matmul %mul3A, %get3A_36, %dot_general3A_37 {dimension_numbers = #tpu.dot_dimension_numbers<[1], [0], [0], [1], [0, 0, 1, 1], [], []>, transpose_lhs_hint = false} : vector<2000x128xf32>, vector<128x128xf32>, vector<2000x128xf32> -> vector<2000x128xf32>
    %add3A_39 = arith.addf %get3A_33, %dot_general3A_38 : vector<2000x128xf32>
    %get3A_40 = arith.constant 0 : index
    %get3A_41 = arith.constant 0 : index
    %get3A_42 = vector.load %arg8[%get3A_40, %get3A_41] : memref<1x128xf32, #tpu.memory_space<vmem>>, vector<1x128xf32>
    %add3A_43 = vector.broadcast %get3A_42 : vector<1x128xf32> to vector<2000x128xf32>
    %add3A_44 = arith.addf %add3A_39, %add3A_43 : vector<2000x128xf32>
    %reduce_sum3A = arith.constant dense<0.000000e+00> : vector<2000xf32>
    %reduce_sum3A_45 = vector.multi_reduction <add>, %add3A_44, %reduce_sum3A [1] : vector<2000x128xf32> to vector<2000xf32>
    %broadcast_in_dim3A = vector.shape_cast %reduce_sum3A_45 : vector<2000xf32> to vector<2000x1xf32>
    %div3A = arith.constant 1.280000e+02 : f32
    %div3A_46 = vector.broadcast %div3A : f32 to vector<2000x1xf32>
    %div3A_47 = arith.divf %broadcast_in_dim3A, %div3A_46 : vector<2000x1xf32>
    %sub3A = vector.broadcast %div3A_47 : vector<2000x1xf32> to vector<2000x128xf32>
    %sub3A_48 = arith.subf %add3A_44, %sub3A : vector<2000x128xf32>
    %mul3A_49 = arith.mulf %sub3A_48, %sub3A_48 : vector<2000x128xf32>
    %reduce_sum3A_50 = arith.constant dense<0.000000e+00> : vector<2000xf32>
    %reduce_sum3A_51 = vector.multi_reduction <add>, %mul3A_49, %reduce_sum3A_50 [1] : vector<2000x128xf32> to vector<2000xf32>
    %broadcast_in_dim3A_52 = vector.shape_cast %reduce_sum3A_51 : vector<2000xf32> to vector<2000x1xf32>
    %div3A_53 = arith.constant 1.280000e+02 : f32
    %div3A_54 = vector.broadcast %div3A_53 : f32 to vector<2000x1xf32>
    %div3A_55 = arith.divf %broadcast_in_dim3A_52, %div3A_54 : vector<2000x1xf32>
    %add3A_56 = arith.constant 9.99999974E-6 : f32
    %add3A_57 = vector.broadcast %add3A_56 : f32 to vector<2000x1xf32>
    %add3A_58 = arith.addf %div3A_55, %add3A_57 : vector<2000x1xf32>
    %rsqrt3A = math.rsqrt %add3A_58 : vector<2000x1xf32>
    %mul3A_59 = vector.broadcast %rsqrt3A : vector<2000x1xf32> to vector<2000x128xf32>
    %mul3A_60 = arith.mulf %sub3A_48, %mul3A_59 : vector<2000x128xf32>
    %get3A_61 = arith.constant 0 : index
    %get3A_62 = arith.constant 0 : index
    %get3A_63 = vector.load %arg9[%get3A_61, %get3A_62] : memref<1x128xf32, #tpu.memory_space<vmem>>, vector<1x128xf32>
    %mul3A_64 = vector.broadcast %get3A_63 : vector<1x128xf32> to vector<2000x128xf32>
    %mul3A_65 = arith.mulf %mul3A_60, %mul3A_64 : vector<2000x128xf32>
    %get3A_66 = arith.constant 0 : index
    %get3A_67 = arith.constant 0 : index
    %get3A_68 = vector.load %arg10[%get3A_66, %get3A_67] : memref<1x128xf32, #tpu.memory_space<vmem>>, vector<1x128xf32>
    %add3A_69 = vector.broadcast %get3A_68 : vector<1x128xf32> to vector<2000x128xf32>
    %add3A_70 = arith.addf %mul3A_65, %add3A_69 : vector<2000x128xf32>
    %swap3A = arith.constant 0 : index
    %swap3A_71 = arith.constant 0 : index
    %swap3A_72 = vector.load %arg11[%swap3A, %swap3A_71] : memref<2000x128xf32, #tpu.memory_space<vmem>>, vector<2000x128xf32>
    tpu.vector_store %arg11[%swap3A, %swap3A_71], %add3A_70 {strides = array<i32>} : memref<2000x128xf32, #tpu.memory_space<vmem>>, vector<2000x128xf32>,
    return
  }
  func.func @transform_0(%arg0: i32) -> (i32, i32) {
    %c0_i32 = arith.constant 0 : i32
    %c0_i32_0 = arith.constant 0 : i32
    return %arg0, %c0_i32 : i32, i32
  }
  func.func @transform_1(%arg0: i32) -> (i32, i32, i32) {
    %c0_i32 = arith.constant 0 : i32
    %c0_i32_0 = arith.constant 0 : i32
    %c0_i32_1 = arith.constant 0 : i32
    return %c0_i32, %arg0, %c0_i32_0 : i32, i32, i32
  }
  func.func @transform_2(%arg0: i32) -> (i32, i32, i32) {
    %c1_i32 = arith.constant 1 : i32
    %c0_i32 = arith.constant 0 : i32
    %c0_i32_0 = arith.constant 0 : i32
    return %c1_i32, %arg0, %c0_i32 : i32, i32, i32
  }
  func.func @transform_3(%arg0: i32) -> (i32, i32) {
    %c0_i32 = arith.constant 0 : i32
    %c0_i32_0 = arith.constant 0 : i32
    return %arg0, %c0_i32 : i32, i32
  }
  func.func @transform_4(%arg0: i32) -> (i32, i32) {
    %c0_i32 = arith.constant 0 : i32
    %c0_i32_0 = arith.constant 0 : i32
    %c0_i32_1 = arith.constant 0 : i32
    return %c0_i32, %c0_i32_0 : i32, i32
  }
  func.func @transform_5(%arg0: i32) -> (i32, i32) {
    %c0_i32 = arith.constant 0 : i32
    %c0_i32_0 = arith.constant 0 : i32
    %c0_i32_1 = arith.constant 0 : i32
    return %c0_i32, %c0_i32_0 : i32, i32
  }
  func.func @transform_6(%arg0: i32) -> (i32, i32) {
    %c0_i32 = arith.constant 0 : i32
    %c0_i32_0 = arith.constant 0 : i32
    %c0_i32_1 = arith.constant 0 : i32
    return %c0_i32, %c0_i32_0 : i32, i32
  }
  func.func @transform_7(%arg0: i32) -> (i32, i32) {
    %c0_i32 = arith.constant 0 : i32
    %c0_i32_0 = arith.constant 0 : i32
    %c0_i32_1 = arith.constant 0 : i32
    return %c0_i32, %c0_i32_0 : i32, i32
  }
  func.func @transform_8(%arg0: i32) -> (i32, i32) {
    %c0_i32 = arith.constant 0 : i32
    %c0_i32_0 = arith.constant 0 : i32
    %c0_i32_1 = arith.constant 0 : i32
    return %c0_i32, %c0_i32_0 : i32, i32
  }
  func.func @transform_9(%arg0: i32) -> (i32, i32) {
    %c0_i32 = arith.constant 0 : i32
    %c0_i32_0 = arith.constant 0 : i32
    %c0_i32_1 = arith.constant 0 : i32
    return %c0_i32, %c0_i32_0 : i32, i32
  }
  func.func @transform_10(%arg0: i32) -> (i32, i32) {
    %c0_i32 = arith.constant 0 : i32
    %c0_i32_0 = arith.constant 0 : i32
    return %arg0, %c0_i32 : i32, i32
  }
}

</mosaic_0001>

<sc_bundles>
// kernel: kernel.11.cloned.1.call-start
scs
__scs_entry_jumppad:
0x0: {  	(pc) =	sbr.rel $0x88, $3  }
0x1: {  	(tag) =	ssettag $0x0;
	lr =	simm.s32 $0x1  }
0x2: {  	[smem:$0x3F8D] =	sst lr;
	_ =	strace $0xD0000000  }
0x3: {  	_ = 	snop  }
0x4: {  	_ = 	snop  }
0x5: {  	_ = 	snop  }
0x6: {  	_ = 	snop  }
0x7: {  	_ = 	snop  }
__scs_overlays_trampoline_lowered:
0x8: {  	[smem:$0x3F9C] =	sst s0  }
0x9: {  	[smem:$0x3F9D] =	sst s1  }
0xa: {  	[smem:$0x3F9E] =	sst s2  }
0xb: {  	[smem:$0x3F9F] =	sst s3  }
0xc: {  	[smem:$0x3FA0] =	sst s4  }
0xd: {  	[smem:$0x3FA1] =	sst s5  }
0xe: {  	[smem:$0x3FA2] =	sst s6  }
0xf: {  	[smem:$0x3FA3] =	sst s7  }
0x10: {  	[smem:$0x3FA4] =	sst s8  }
0x11: {  	[smem:$0x3FA5] =	sst s9;
	s0 =	simm.s32 @!p0 $0x0  }
0x12: {  	s1 =	sld [smem:$0x3F8B];
	s0 =	simm.s32 @p0 $0x1  }
0x13: {  	[smem:$0x3FA6] =	sst s0;
	s0 =	simm.s32 @!p1 $0x0  }
0x14: {  	s2 =	sld [smem:$0x3F8A];
	s0 =	simm.s32 @p1 $0x1  }
0x15: {  	[smem:$0x3FA7] =	sst s0;
	s0 =	simm.s32 @!p2 $0x0  }
0x16: {  	s3 =	sld [smem:$0x3FDB];
	s0 =	simm.s32 @p2 $0x1  }
0x17: {  	s4 =	simm.s32 $0x1BF5;
	[smem:$0x3FA9] =	sst s0  }
0x18: {  	s0 =	sld [smem:$0x3F8C];
	_ =	swait.ge [sflag:s4], $0x0  }
0x19: {  	s7 =	sld [smem:$0x3F8D]  }
0x1a: {  	s8 =	sadd.s32 $0xFFFFE003, lr  }
0x1b: {  	s9 =	sadd.s32 $0xFFFFFEF7, lr;
	s5 =	simm.s32 $0xFFFFFFFF;
	p2 =	slt.u32 s8, $0xFFFFF086  }
0x1c: {  	p1 =	slt.u32 s9, $0xF7A;
	s5 =	simm.s32 @!p2 $0x0  }
0x1d: {  	s5 =	simm.s32 @p1 $0x1;
	p0 =	seq.s32 s7, s2  }
0x1e: {  	s7 =	smul.u32 @!p0 $0xF7A, s2;
	p2 =	seq.s32 @!p0 s5, $0x0  }
0x1f: {  	s9 =	smul.u32 $0xF7A, s1;
	s8 =	simm.s32 @!p0 $0x1BF5;
	p2 =	por !p2, p0  }
0x20: {  	[sflag:s8] =	ssyncset.s32 @!p0 $0xFFFFF086;
	s6 =	sadd.s32 @!p0 s3, s7;
	s7 =	simm.s32 @!p0 $0x108  }
0x21: {  	s3 =	sadd.s32 s3, s9;
	s6 =	sadd.s32 @!p0 $0x88, s6;
	s7 =	simm.s32 @p2 $0x1082  }
0x22: {  	[simem:s7], [sflag:s8] =	dma.local @!p0 [hbm:s6], $0xF7A  }
0x23: {  	s9 =	sor.u32 $0xD0000000, s2;
	s6 =	simm.s32 $0x108;
	_ =	swait.ge @!p0 [sflag:s8], $0x0  }
0x24: {  	s3 =	sadd.s32 $0x88, s3;
	s6 =	simm.s32 @!p1 $0x1082;
	[sflag:s4] =	ssyncset.s32 $0xFFFFF086  }
0x25: {  	[simem:s6], [sflag:s4] =	dma.local [hbm:s3], $0xF7A  }
0x26: {  	[smem:$0x3F8D] =	sst s1;
	(tag) =	ssettag s2;
	_ =	strace s9  }
0x27: {  	s1 =	sld [smem:$0x3F9D]  }
0x28: {  	s2 =	sld [smem:$0x3F9E]  }
0x29: {  	s4 =	sld [smem:$0x3FA0]  }
0x2a: {  	p0 =	seq.s32 s5, $0x0;
	s5 =	sld [smem:$0x3FA1]  }
0x2b: {  	s6 =	sld [smem:$0x3FA2]  }
0x2c: {  	s7 =	sld [smem:$0x3FA3]  }
0x2d: {  	s3 =	simm.s32 $0x108;
	s8 =	sld [smem:$0x3FA4]  }
0x2e: {  	s3 =	simm.s32 @!p0 $0x1082;
	s9 =	sld [smem:$0x3FA5]  }
0x2f: {  	lr =	sadd.s32 s0, s3;
	s0 =	sld [smem:$0x3F9C]  }
0x30: {  	s3 =	sld [smem:$0x3F9F]  }
0x31: {  	[smem:$0x3FA8] =	sst s10  }
0x32: {  	s10 =	sld [smem:$0x3FA6];
	_ =	sdelay $0x3  }
0x33: {  	p0 =	seq.s32 s10, $0x1;
	s10 =	sld [smem:$0x3FA8];
	_ =	sdelay $0x3  }
0x34: {  	[smem:$0x3FA8] =	sst s10  }
0x35: {  	s10 =	sld [smem:$0x3FA7];
	_ =	sdelay $0x3  }
0x36: {  	p1 =	seq.s32 s10, $0x1;
	s10 =	sld [smem:$0x3FA8];
	_ =	sdelay $0x3  }
0x37: {  	[smem:$0x3FA8] =	sst s10  }
0x38: {  	s10 =	sld [smem:$0x3FA9]  }
0x39: {  	_ = 	snop;
	(pc) =	sbr.ind lr, $3  }
0x3a: {  	_ = 	snop  }
0x3b: {  	_ = 	snop  }
0x3c: {  	p2 =	seq.s32 s10, $0x1;
	s10 =	sld [smem:$0x3FA8]  }
0x3d: {  	_ =	shalt  }
0x3e: {  	_ =	shalt  }
0x3f: {  	_ =	shalt  }
0x40: {  	_ =	shalt  }
0x41: {  	_ =	shalt  }
0x42: {  	_ =	shalt  }
0x43: {  	_ =	shalt  }
0x44: {  	_ =	shalt  }
0x45: {  	_ =	shalt  }
0x46: {  	_ =	shalt  }
0x47: {  	_ =	shalt  }
0x48: {  	_ =	shalt  }
0x49: {  	_ =	shalt  }
0x4a: {  	_ =	shalt  }
0x4b: {  	_ =	shalt  }
0x4c: {  	_ =	shalt  }
0x4d: {  	_ =	shalt  }
0x4e: {  	_ =	shalt  }
0x4f: {  	_ =	shalt  }
0x50: {  	_ =	shalt  }
0x51: {  	_ =	shalt  }
0x52: {  	_ =	shalt  }
0x53: {  	_ =	shalt  }
0x54: {  	_ =	shalt  }
0x55: {  	_ =	shalt  }
0x56: {  	_ =	shalt  }
0x57: {  	_ =	shalt  }
0x58: {  	_ =	shalt  }
0x59: {  	_ =	shalt  }
0x5a: {  	_ =	shalt  }
0x5b: {  	_ =	shalt  }
0x5c: {  	_ =	shalt  }
0x5d: {  	_ =	shalt  }
0x5e: {  	_ =	shalt  }
0x5f: {  	_ =	shalt  }
0x60: {  	_ =	shalt  }
0x61: {  	_ =	shalt  }
0x62: {  	_ =	shalt  }
0x63: {  	_ =	shalt  }
0x64: {  	_ =	shalt  }
0x65: {  	_ =	shalt  }
0x66: {  	_ =	shalt  }
0x67: {  	_ =	shalt  }
0x68: {  	_ =	shalt  }
0x69: {  	_ =	shalt  }
0x6a: {  	_ =	shalt  }
0x6b: {  	_ =	shalt  }
0x6c: {  	_ =	shalt  }
0x6d: {  	_ =	shalt  }
0x6e: {  	_ =	shalt  }
0x6f: {  	_ =	shalt  }
0x70: {  	_ =	shalt  }
0x71: {  	_ =	shalt  }
0x72: {  	_ =	shalt  }
0x73: {  	_ =	shalt  }
0x74: {  	_ =	shalt  }
0x75: {  	_ =	shalt  }
0x76: {  	_ =	shalt  }
0x77: {  	_ =	shalt  }
0x78: {  	_ =	shalt  }
0x79: {  	_ =	shalt  }
0x7a: {  	_ =	shalt  }
0x7b: {  	_ =	shalt  }
0x7c: {  	_ =	shalt  }
0x7d: {  	_ =	shalt  }
0x7e: {  	_ =	shalt  }
0x7f: {  	_ =	shalt  }
0x80: {  	_ =	shalt  }
0x81: {  	_ =	shalt  }
0x82: {  	_ =	shalt  }
0x83: {  	_ =	shalt  }
0x84: {  	_ =	shalt  }
0x85: {  	_ =	shalt  }
0x86: {  	_ =	shalt  }
0x87: {  	_ =	shalt  }
.Lfunc_end0:
.L_simem_size_0:
called_computation.1_lowered:
.L_overlay_start_0:
0x88: {  	s2 =	sld [smem:$0x3FD9]  }
0x89: {  	s3 =	sld [smem:$0x3FFE];
	_ =	sdelay $0x1  }
0x8a: {  	s1 =	srdreg.scid  }
0x8b: {  	s0 =	sand.u32 $0x1, s1  }
0x8c: {  	s17 =	sshll.u32 s0, $0xA;
	s2 =	sadd.s32 s3, s2  }
0x8d: {  	s2 =	sadd.s32 s2, s17  }
0x8e: {  	[smem:$0x3FB4] =	sst s2  }
0x8f: {  	_ = 	snop  }
0x90: {  	(tm) =	ssettm $0x1  }
0x91: {  	s18 =	sld [smem:$0x3FFB];
	_ =	sdelay $0x3  }
0x92: {  	_ =	strace s18  }
0x93: {  	s2 =	sld [smem:$0x3FFC];
	_ =	sdelay $0x3  }
0x94: {  	_ =	strace s2  }
0x95: {  	s2 =	sld [smem:$0x3FFD];
	_ =	sdelay $0x3  }
0x96: {  	_ =	strace s2  }
0x97: {  	_ =	strace $0x8FFFFFFF  }
0x98: {  	s19 =	sld [smem:$0x3FDB];
	_ =	sdelay $0x1  }
0x99: {  	s20 =	simm.s32 $_scs_section_size  }
0x9a: {  	s4 =	simm.s32 $_size__tile_overlayer_lowered;
	s5 =	simm.s32 $_tile_overlayer_lowered  }
0x9b: {  	s6 =	simm.s32 $0x1BFF;
	s21 =	sshll.u32 s5, $0x1;
	s3 =	sadd.s32 s20, s19  }
0x9c: {  	s22 =	simm.s32 $0x0;
	s4 =	sshll.u32 s4, $0x1;
	s5 =	sadd.s32 s21, s3  }
0x9d: {  	[timem:s22], [sflag:s6] =	dma.local [hbm:s5], s4  }
0x9e: {  	_ =	swait.ge [sflag:s6], s4  }
0x9f: {  	s4 =	ssub.s32 $0x0, s4;
	[sflag:s6] =	ssyncset.done $0x0  }
0xa0: {  	[sflag:s6] =	ssyncadd.s32 s4;
	_ =	sdelay $0x1  }
0xa1: {  	s23 =	simm.s32 $0x1B8B  }
0xa2: {  	_ =	swait.ge [sflag:s23], $0x1  }
0xa3: {  	[sflag:s23] =	ssyncset.done $0x0  }
0xa4: {  	[sflag:s23] =	ssyncadd.s32 $0xFFFFFFFF  }
0xa5: {  	s4 =	sld [smem:$0x0]  }
0xa6: {  	s5 =	sand.u32 $0xFFFFFFFE, s1  }
0xa7: {  	p0 =	sne.s32 s1, s5  }
0xa8: {  	s5 =	sshll.u32 @p0 s5, $0xE  }
0xa9: {  	s5 =	sadd.s32 @p0 $0x11B8D, s5;
	s6 =	sshll.u32 @p0 s4, $0x11  }
0xaa: {  	s5 =	sor.u32 @p0 s6, s5  }
0xab: {  	[sflag:s5] =	ssyncadd.remote.s32 @p0 $0x1;
	_ =	sdelay $0x1  }
0xac: {  	s5 =	simm.s32 @p0 $0x1B8D  }
0xad: {  	_ =	swait.eq @p0 [sflag:s5], $0x1  }
0xae: {  	[sflag:s5] =	ssyncadd.s32 @p0 $0xFFFFFFFF  }
0xaf: {  	s6 =	sshll.u32 @!p0 s1, $0xE  }
0xb0: {  	s6 =	sor.u32 @!p0 $0x4000, s6;
	s5 =	simm.s32 @!p0 $0x1B8D  }
0xb1: {  	s4 =	sshll.u32 @!p0 s4, $0x11;
	s6 =	sadd.s32 @!p0 $0x11B8D, s6;
	_ =	swait.eq @!p0 [sflag:s5], $0x1  }
0xb2: {  	s4 =	sor.u32 @!p0 s4, s6;
	[sflag:s5] =	ssyncadd.s32 @!p0 $0xFFFFFFFF  }
0xb3: {  	s25 =	simm.s32 $0x1B8E;
	s24 =	sld [smem:$0x3FFE];
	[sflag:s4] =	ssyncadd.remote.s32 @!p0 $0x1  }
0xb4: {  	s26 =	simm.s32 $execute0_lowered;
	[smem:$0x3FD2] =	sst s25  }
0xb5: {  	s5 =	sshll.u32 s26, $0x1;
	_ =	strace $0x80000049;
	[dreg:$0x1] =	wrdreg $0xFFFFFFFF  }
0xb6: {  	s28 =	simm.s32 $_size_execute0_lowered;
	s3 =	sadd.s32 s3, s5;
	[dreg:$0x0] =	wrdreg $0x0  }
0xb7: {  	s5 =	sshll.u32 s28, $0x1;
	[dreg:$0x2] =	wrdreg s3  }
0xb8: {  	[dreg:$0x3] =	wrdreg s5  }
0xb9: {  	[dreg:$0x4] =	wrdreg $0xC0  }
0xba: {  	_ =	task [dreg:s22], $0x5FFFF  }
0xbb: {  	[dreg:$0x1] =	wrdreg $0xFFFFFFFF  }
0xbc: {  	[dreg:$0x0] =	wrdreg $0x60  }
0xbd: {  	[dreg:$0x2] =	wrdreg s24  }
0xbe: {  	[dreg:$0x3] =	wrdreg $0x109A00  }
0xbf: {  	[dreg:$0x4] =	wrdreg $0xA  }
0xc0: {  	_ =	task.clear_ibuf [dreg:s22], $0x5FFFF;
	_ =	strace $0x90000049  }
0xc1: {  	s29 =	simm.s32 $0xA;
	_ =	strace $0x8000004B  }
0xc2: {  	_ =	swait.ge [sflag:s29], $0x1  }
0xc3: {  	[sflag:s29] =	ssyncadd.s32 $0xFFFFFFFF  }
0xc4: {  	_ =	strace $0x9000004B  }
0xc5: {  	_ =	sfence  }
0xc6: {  	s30 =	sld [smem:$0x0];
	_ =	sdelay $0x2  }
0xc7: {  	s31 =	sshll.u32 s1, $0xD;
	s1 =	sshrl.u32 s1, $0x2  }
0xc8: {  	s4 =	sand.u32 $0x4000, s31;
	s1 =	sadd.s32 s1, s30  }
0xc9: {  	s0 =	sor.u32 s4, s0;
	s1 =	sshll.u32 s1, $0x11  }
0xca: {  	s0 =	sor.u32 s1, s0  }
0xcb: {  	s0 =	sadd.s32 $0x8F2B, s0  }
0xcc: {  	[sflag:s0] =	ssyncadd.remote.s32 $0x1  }
0xcd: {  	_ =	sfence.sel $0xFFFF  }
0xce: {  	[dreg:$0x0] =	wrdreg $0xFFFFFFFF;
	(pc) =	sbr.abs _section_cstart, $3  }
0xcf: {  	[dreg:$0x1] =	wrdreg $0xFFFFFFFF  }
0xd0: {  	_ =	task.clear_ibuf [dreg:s22], $0x2FFFF;
	_ =	strace $0x9FFFFFFF  }
0xd1: {  	(tm) =	ssettm $0x7FFFFFFF  }
tec
execute0_lowered:
.L_overlay_start_1:
0x0: {  	(tag) =	ssettag $0x1  }
0x1: {  	s0 =	rddreg [dreg:$0x0]  }
0x2: {  	s2 =	rddreg [dreg:$0x1]  }
0x3: {  	s3 =	simm.s32 $0x0;
	s15 =	stileid.u32;
	s6 =	srdreg.scid  }
0x4: {  	s17 =	simm.s32 $0x3E8;
	s28 =	simm.s32 $0x0;
	[smem:$0x7FF] =	sst s3  }
0x5: {  	s1 =	smul.u32 $0x2800, s15;
	s4 =	sadd.s32 $0x54800, s0;
	s5 =	sadd.s32 $0x5E600, s0  }
0x6: {  	s8 =	sand.u32 $0x1, s6;
	s18 =	sshll.u32 s15, $0x1;
	s19 =	smul.u32 $0x4E20, s15  }
0x7: {  	s10 =	sadd.s32 $0xA31400, s0;
	s13 =	sshll.u32 s15, $0x6;
	s22 =	smul.u32 $0x9C40, s15  }
0x8: {  	s15 =	simm.s32 $0x5;
	_ =	strace $0x8000004A;
	s9 =	ssub.s32 $0x2, s8  }
0x9: {  	s6 =	sor.u32 s8, s18;
	s14 =	smul.u32 $0x2710, s8;
	s21 =	sor.u32 $0x1C05, s13  }
0xa: {  	s23 =	smul.u32 $0x4E20, s8;
	s18 =	simm.s32 $0xFA0;
	s7 =	sshrl.u32 s1, $0x3  }
0xb: {  	s11 =	sshrl.u32 s9, $0x1;
	s12 =	smul.u32 $0x2710, s6;
	s1 =	sadd.s32 s1, s2  }
0xc: {  	[dreg:$0x8] =	wrdreg s21;
	s13 =	sadd.s32 s22, s10;
	s21 =	simm.s32 $0x4E20  }
0xd: {  	s7 =	sadd.s32 s7, s0;
	s0 =	sadd.s32 $0xACD800, s0;
	s11 =	ssub.s32 s9, s11  }
0xe: {  	s14 =	sadd.s32 s14, s19;
	s13 =	sadd.s32 s23, s13;
	s19 =	simm.s32 $0x8CA0  }
0xf: {  	s20 =	sadd.s32 $0xA2C400, s7;
	s12 =	sshrl.u32 s12, $0x3;
	s25 =	sadd.s32 s22, s0  }
0x10: {  	s16 =	sadd.s32 $0x3E8, s14;
	[dreg:$0x4] =	wrdreg s13;
	s22 =	simm.s32 $0xCB20  }
0x11: {  	[dreg:$0x7] =	wrdreg s20;
	s24 =	sadd.s32 s4, s12;
	s9 =	sadd.s32 s23, s25  }
0x12: {  	s16 =	sshrl.u32 s16, $0x3;
	s29 =	sadd.s32 s5, s12;
	[dreg:$0x9] =	wrdreg s24  }
0x13: {  	s20 =	simm.s32 $0xBB8;
	s23 =	simm.s32 $0x1;
	[dreg:$0x3] =	wrdreg s9  }
0x14: {  	s25 =	simm.s32 $0x2;
	s26 =	sshll.u32 s16, $0x4;
	[dreg:$0xa] =	wrdreg s29  }
0x15: {  	s12 =	sadd.s32 s16, s5;
	s13 =	sadd.s32 s16, s4;
	s16 =	simm.s32 $0x7D0  }
0x16: {  	s24 =	simm.s32 $0x3;
	s30 =	sadd.s32 s26, s10;
	s10 =	smax.u32 s11, $0x1  }
0x17: {  	s31 =	sadd.s32 s26, s0;
	s0 =	sadd.s32 $0x7D0, s14;
	[dreg:$0x5] =	wrdreg s30  }
0x18: {  	s14 =	sshrl.u32 s1, $0x3;
	s26 =	simm.s32 $0x4;
	[dreg:$0x6] =	wrdreg s31  }
.LBB2_1:
0x19: {  	s1 =	rddreg [dreg:$0x7]  }
0x1a: {  	s6 =	rddreg [dreg:$0x8]  }
0x1b: {  	[spmem:s14], [sflag:s6] =	dma.local [hbm:s1], $0x500  }
0x1c: {  	_ =	swait.ge [sflag:s15], $0x500  }
0x1d: {  	[sflag:s15] =	ssyncset.done $0x0  }
0x1e: {  	[sflag:s15] =	ssyncadd.s32 $0xFFFFFB00  }
0x1f: {  	[bflag:$0x0] =	sbarrier.arrive $0xFFFF  }
0x20: {  	s11 =	rddreg [dreg:$0x9]  }
0x21: {  	[tilespmem:s3], [sflag:$0x5] =	stream.linear.gather [hbm4b:s11+s3], $0x3E8, $0x38;
	[tilespmem:$0x131A0] =	vst v63  }
0x22: {  	_ =	swait.ge [sflag:s15], $0x3E8  }
0x23: {  	[sflag:s15] =	ssyncset.done $0x0  }
0x24: {  	s6 =	rddreg [dreg:$0xa];
	[sflag:s15] =	ssyncadd.s32 $0xFFFFFC18  }
0x25: {  	[tilespmem:s16], [sflag:$0x5] =	stream.linear.gather [hbm4b:s6+s3], $0x3E8, $0x38;
	[tilespmem:$0x131A0] =	vst v63  }
0x26: {  	_ =	swait.ge [sflag:s15], $0x3E8  }
0x27: {  	[sflag:s15] =	ssyncset.done $0x0  }
0x28: {  	[sflag:s15] =	ssyncadd.s32 $0xFFFFFC18  }
0x29: {  	[tilespmem:s18], [sflag:$0x1] =	stream.indirect.gather [spmem:s2], $0x10, s3, s17, $0xb8;
	[tilespmem:$0x131A0] =	vst v63  }
0x2a: {  	_ = 	snop  }
0x2b: {  	[tilespmem:s19], [sflag:$0x3] =	stream.indirect.gather [spmem:s2], $0x10, s16, s17, $0xb8;
	[tilespmem:$0x131A0] =	vst v63  }
0x2c: {  	_ = 	snop  }
0x2d: {  	[tilespmem:s17], [sflag:$0x5] =	stream.linear.gather [hbm4b:s13+s3], $0x3E8, $0x38;
	[tilespmem:$0x131A0] =	vst v63  }
0x2e: {  	_ =	swait.ge [sflag:s15], $0x3E8  }
0x2f: {  	[sflag:s15] =	ssyncset.done $0x0  }
0x30: {  	[sflag:s15] =	ssyncadd.s32 $0xFFFFFC18  }
0x31: {  	[tilespmem:s20], [sflag:$0x5] =	stream.linear.gather [hbm4b:s12+s3], $0x3E8, $0x38;
	[tilespmem:$0x131A0] =	vst v63  }
0x32: {  	_ =	swait.ge [sflag:s15], $0x3E8  }
0x33: {  	[sflag:s15] =	ssyncset.done $0x0  }
0x34: {  	[sflag:s15] =	ssyncadd.s32 $0xFFFFFC18  }
0x35: {  	[tilespmem:s21], [sflag:$0x2] =	stream.indirect.gather [spmem:s2], $0x10, s17, s17, $0xb8;
	[tilespmem:$0x131A0] =	vst v63  }
0x36: {  	_ = 	snop  }
0x37: {  	[tilespmem:s22], [sflag:$0x4] =	stream.indirect.gather [spmem:s2], $0x10, s20, s17, $0xb8;
	[tilespmem:$0x131A0] =	vst v63  }
0x38: {  	_ =	swait.ge [sflag:s23], $0x3E80  }
0x39: {  	s7 =	rddreg [dreg:$0x4];
	[sflag:s23] =	ssyncset.done $0x0  }
0x3a: {  	[sflag:s23] =	ssyncadd.s32 $0xFFFFC180;
	s1 =	sadd.s32 $0x0, s7  }
0x3b: {  	[hbm4b:s1+s3] =	stream.linear.scatter [tilespmem:s18], [sflag:$0x5], $0x3E80, $0x38;
	[tilespmem:$0x131A0] =	vst v63  }
0x3c: {  	_ =	swait.ge [sflag:s15], $0x3E80  }
0x3d: {  	[sflag:s15] =	ssyncset.done $0x0  }
0x3e: {  	[sflag:s15] =	ssyncadd.s32 $0xFFFFC180  }
0x3f: {  	_ =	swait.ge [sflag:s24], $0x3E80  }
0x40: {  	s8 =	rddreg [dreg:$0x3];
	[sflag:s24] =	ssyncset.done $0x0  }
0x41: {  	[sflag:s24] =	ssyncadd.s32 $0xFFFFC180;
	s1 =	sadd.s32 $0x0, s8  }
0x42: {  	[hbm4b:s1+s3] =	stream.linear.scatter [tilespmem:s19], [sflag:$0x5], $0x3E80, $0x38;
	[tilespmem:$0x131A0] =	vst v63  }
0x43: {  	p0 =	por $0x0, $0x0;
	_ =	swait.ge [sflag:s15], $0x3E80  }
0x44: {  	s30 =	simm.s32 @!p0 $0x0;
	s1 =	sshrl.u32 @!p0 s0, $0x3;
	[sflag:s15] =	ssyncset.done $0x0  }
0x45: {  	s11 =	simm.s32 @!p0 $0x5;
	s29 =	sadd.s32 @!p0 s4, s1;
	[sflag:s15] =	ssyncadd.s32 $0xFFFFC180  }
0x46: {  	[tilespmem:s30], [sflag:$0x5] =	stream.linear.gather @!p0 [hbm4b:s29+s30], $0x3E8, $0x38;
	[tilespmem:$0x131A0] =	vst v63  }
0x47: {  	_ =	swait.ge @!p0 [sflag:s11], $0x3E8  }
0x48: {  	[sflag:s11] =	ssyncset.done @!p0 $0x0  }
0x49: {  	s1 =	sadd.s32 @!p0 s5, s1;
	s29 =	simm.s32 @!p0 $0x7D0;
	[sflag:s11] =	ssyncadd.s32 @!p0 $0xFFFFFC18  }
0x4a: {  	[tilespmem:s29], [sflag:$0x5] =	stream.linear.gather @!p0 [hbm4b:s1+s30], $0x3E8, $0x38;
	[tilespmem:$0x131A0] =	vst v63  }
0x4b: {  	_ =	swait.ge @!p0 [sflag:s11], $0x3E8  }
0x4c: {  	[sflag:s11] =	ssyncset.done @!p0 $0x0  }
0x4d: {  	s1 =	simm.s32 @!p0 $0x3E8;
	[sflag:s11] =	ssyncadd.s32 @!p0 $0xFFFFFC18;
	s11 =	simm.s32 @!p0 $0xFA0  }
0x4e: {  	[tilespmem:s11], [sflag:$0x1] =	stream.indirect.gather @!p0 [spmem:s2], $0x10, s30, s1, $0xb8;
	[tilespmem:$0x131A0] =	vst v63  }
0x4f: {  	s11 =	simm.s32 @!p0 $0x8CA0  }
0x50: {  	[tilespmem:s11], [sflag:$0x3] =	stream.indirect.gather @!p0 [spmem:s2], $0x10, s29, s1, $0xb8;
	[tilespmem:$0x131A0] =	vst v63  }
0x51: {  	_ =	swait.ge [sflag:s25], $0x3E80  }
0x52: {  	s9 =	rddreg [dreg:$0x5];
	[sflag:s25] =	ssyncset.done $0x0  }
0x53: {  	[sflag:s25] =	ssyncadd.s32 $0xFFFFC180;
	s1 =	sadd.s32 $0x0, s9  }
0x54: {  	[hbm4b:s1+s3] =	stream.linear.scatter [tilespmem:s21], [sflag:$0x5], $0x3E80, $0x38;
	[tilespmem:$0x131A0] =	vst v63  }
0x55: {  	_ =	swait.ge [sflag:s15], $0x3E80  }
0x56: {  	[sflag:s15] =	ssyncset.done $0x0  }
0x57: {  	[sflag:s15] =	ssyncadd.s32 $0xFFFFC180  }
0x58: {  	_ =	swait.ge [sflag:s26], $0x3E80  }
0x59: {  	s11 =	rddreg [dreg:$0x6];
	[sflag:s26] =	ssyncset.done $0x0  }
0x5a: {  	[sflag:s26] =	ssyncadd.s32 $0xFFFFC180;
	s1 =	sadd.s32 $0x0, s11  }
0x5b: {  	[hbm4b:s1+s3] =	stream.linear.scatter [tilespmem:s22], [sflag:$0x5], $0x3E80, $0x38;
	[tilespmem:$0x131A0] =	vst v63  }
0x5c: {  	s31 =	sadd.s32 $0xFA, s13;
	s30 =	sadd.s32 $0xFA, s12;
	_ =	swait.ge [sflag:s15], $0x3E80  }
0x5d: {  	s29 =	simm.s32 $0xFA0;
	s11 =	smov.u32 s0;
	[sflag:s15] =	ssyncset.done $0x0  }
.LBB2_2:
0x5e: {  	[sflag:s15] =	ssyncadd.s32 $0xFFFFC180  }
0x5f: {  	[tilespmem:s17], [sflag:$0x5] =	stream.linear.gather [hbm4b:s31+s3], $0x3E8, $0x38;
	[tilespmem:$0x131A0] =	vst v63  }
0x60: {  	_ =	swait.ge [sflag:s15], $0x3E8  }
0x61: {  	[sflag:s15] =	ssyncset.done $0x0  }
0x62: {  	[sflag:s15] =	ssyncadd.s32 $0xFFFFFC18  }
0x63: {  	[tilespmem:s20], [sflag:$0x5] =	stream.linear.gather [hbm4b:s30+s3], $0x3E8, $0x38;
	[tilespmem:$0x131A0] =	vst v63  }
0x64: {  	_ =	swait.ge [sflag:s15], $0x3E8  }
0x65: {  	[sflag:s15] =	ssyncset.done $0x0  }
0x66: {  	[sflag:s15] =	ssyncadd.s32 $0xFFFFFC18  }
0x67: {  	[tilespmem:s21], [sflag:$0x2] =	stream.indirect.gather [spmem:s2], $0x10, s17, s17, $0xb8;
	[tilespmem:$0x131A0] =	vst v63  }
0x68: {  	_ = 	snop  }
0x69: {  	[tilespmem:s22], [sflag:$0x4] =	stream.indirect.gather [spmem:s2], $0x10, s20, s17, $0xb8;
	[tilespmem:$0x131A0] =	vst v63  }
0x6a: {  	_ =	swait.ge [sflag:s23], $0x3E80  }
0x6b: {  	s1 =	smov.u32 s29;
	s6 =	rddreg [dreg:$0x4];
	[sflag:s23] =	ssyncset.done $0x0  }
0x6c: {  	[sflag:s23] =	ssyncadd.s32 $0xFFFFC180;
	s6 =	sadd.s32 s1, s6  }
0x6d: {  	[hbm4b:s6+s3] =	stream.linear.scatter [tilespmem:s18], [sflag:$0x5], $0x3E80, $0x38;
	[tilespmem:$0x131A0] =	vst v63  }
0x6e: {  	_ =	swait.ge [sflag:s15], $0x3E80  }
0x6f: {  	[sflag:s15] =	ssyncset.done $0x0  }
0x70: {  	[sflag:s15] =	ssyncadd.s32 $0xFFFFC180  }
0x71: {  	_ =	swait.ge [sflag:s24], $0x3E80  }
0x72: {  	s7 =	rddreg [dreg:$0x3];
	[sflag:s24] =	ssyncset.done $0x0  }
0x73: {  	[sflag:s24] =	ssyncadd.s32 $0xFFFFC180;
	s6 =	sadd.s32 s1, s7  }
0x74: {  	[hbm4b:s6+s3] =	stream.linear.scatter [tilespmem:s19], [sflag:$0x5], $0x3E80, $0x38;
	[tilespmem:$0x131A0] =	vst v63  }
0x75: {  	s11 =	sadd.s32 $0x7D0, s11;
	p1 =	seq.s32 s1, $0x3E80;
	_ =	swait.ge [sflag:s15], $0x3E80  }
0x76: {  	s9 =	simm.s32 @!p1 $0x0;
	s6 =	sshrl.u32 @!p1 s11, $0x3;
	[sflag:s15] =	ssyncset.done $0x0  }
0x77: {  	s7 =	simm.s32 @!p1 $0x5;
	s8 =	sadd.s32 @!p1 s4, s6;
	[sflag:s15] =	ssyncadd.s32 $0xFFFFC180  }
0x78: {  	[tilespmem:s9], [sflag:$0x5] =	stream.linear.gather @!p1 [hbm4b:s8+s9], $0x3E8, $0x38;
	[tilespmem:$0x131A0] =	vst v63  }
0x79: {  	_ =	swait.ge @!p1 [sflag:s7], $0x3E8  }
0x7a: {  	[sflag:s7] =	ssyncset.done @!p1 $0x0  }
0x7b: {  	s6 =	sadd.s32 @!p1 s5, s6;
	s8 =	simm.s32 @!p1 $0x7D0;
	[sflag:s7] =	ssyncadd.s32 @!p1 $0xFFFFFC18  }
0x7c: {  	[tilespmem:s8], [sflag:$0x5] =	stream.linear.gather @!p1 [hbm4b:s6+s9], $0x3E8, $0x38;
	[tilespmem:$0x131A0] =	vst v63  }
0x7d: {  	_ =	swait.ge @!p1 [sflag:s7], $0x3E8  }
0x7e: {  	[sflag:s7] =	ssyncset.done @!p1 $0x0  }
0x7f: {  	s6 =	simm.s32 @!p1 $0x3E8;
	[sflag:s7] =	ssyncadd.s32 @!p1 $0xFFFFFC18;
	s7 =	simm.s32 @!p1 $0xFA0  }
0x80: {  	[tilespmem:s7], [sflag:$0x1] =	stream.indirect.gather @!p1 [spmem:s2], $0x10, s9, s6, $0xb8;
	[tilespmem:$0x131A0] =	vst v63  }
0x81: {  	s7 =	simm.s32 @!p1 $0x8CA0  }
0x82: {  	[tilespmem:s7], [sflag:$0x3] =	stream.indirect.gather @!p1 [spmem:s2], $0x10, s8, s6, $0xb8;
	[tilespmem:$0x131A0] =	vst v63  }
0x83: {  	_ =	swait.ge [sflag:s25], $0x3E80  }
0x84: {  	s8 =	rddreg [dreg:$0x5];
	[sflag:s25] =	ssyncset.done $0x0  }
0x85: {  	[sflag:s25] =	ssyncadd.s32 $0xFFFFC180;
	s6 =	sadd.s32 s1, s8  }
0x86: {  	[hbm4b:s6+s3] =	stream.linear.scatter [tilespmem:s21], [sflag:$0x5], $0x3E80, $0x38;
	[tilespmem:$0x131A0] =	vst v63  }
0x87: {  	_ =	swait.ge [sflag:s15], $0x3E80  }
0x88: {  	[sflag:s15] =	ssyncset.done $0x0  }
0x89: {  	s29 =	sadd.s32 $0xFA0, s29;
	[sflag:s15] =	ssyncadd.s32 $0xFFFFC180  }
0x8a: {  	p0 =	sne.s32 s29, $0x4E20;
	_ =	swait.ge [sflag:s26], $0x3E80  }
.Ltmp0:
0x8b: {  	s9 =	rddreg [dreg:$0x6];
	[sflag:s26] =	ssyncset.done $0x0;
	(pc) =	sbr.rel @p0 .LBB2_2-.Ltmp0, $4  }
0x8c: {  	[sflag:s26] =	ssyncadd.s32 $0xFFFFC180;
	s1 =	sadd.s32 s1, s9  }
0x8d: {  	[hbm4b:s1+s3] =	stream.linear.scatter [tilespmem:s22], [sflag:$0x5], $0x3E80, $0x38;
	[tilespmem:$0x131A0] =	vst v63  }
0x8e: {  	_ =	swait.ge [sflag:s15], $0x3E80  }
0x8f: {  	s31 =	sadd.s32 $0xFA, s31;
	s30 =	sadd.s32 $0xFA, s30;
	[sflag:s15] =	ssyncset.done $0x0  }
0x90: {  	s28 =	sadd.s32 $0x1, s28  }
0x91: {  	p0 =	sne.s32 s28, s10  }
.Ltmp1:
0x92: {  	_ = 	snop;
	(pc) =	sbr.rel @p0 .LBB2_1-.Ltmp1, $2  }
0x93: {  	_ =	sdelay $0x2  }
0x94: {  	[sflag:s15] =	ssyncadd.s32 $0xFFFFC180  }
0x95: {  	_ =	sfence.sel $0x180000  }
0x96: {  	[bflag:$0x0] =	sbarrier.arrive $0xFFFF  }
0x97: {  	_ =	strace $0x9000004A  }
0x98: {  	s0 =	stileid.u32;
	[bflag:$0x2] =	sbarrier.arrive $0xFFFF  }
0x99: {  	p0 =	sne.s32 s0, $0x0;
	s0 =	rddreg [dreg:$0x2]  }
0x9a: {  	s0 =	sadd.s32 @!p0 $0x100000, s0  }
0x9b: {  	[sflag:s0] =	ssyncadd.tile.s32 @!p0 $0x1;
	_ =	shalt  }
.Lfunc_end2:
_tile_overlayer_lowered:
.L_overlay_start_2:
0x9c: {  	(tag) =	ssettag $0x2  }
0x9d: {  	s0 =	rddreg [dreg:$0x0];
	s2 =	stileid.u32  }
0x9e: {  	s1 =	rddreg [dreg:$0x1];
	p0 =	sne.s32 s2, $0x0  }
0x9f: {  	s3 =	rddreg [dreg:$0x2];
	[bflag:$0x3] =	sbarrier.arrive $0xFFFF;
	s2 =	simm.s32 @!p0 $0x1C05  }
0xa0: {  	[timem:s3], [sflag:s2] =	dma.local @!p0 [hbm:s0], s1  }
0xa1: {  	s0 =	simm.s32 @!p0 $0x5  }
0xa2: {  	_ =	swait.ge @!p0 [sflag:s0], s1  }
0xa3: {  	s1 =	ssub.s32 @!p0 $0x0, s1;
	[sflag:s0] =	ssyncset.done @!p0 $0x0  }
0xa4: {  	[sflag:s0] =	ssyncadd.s32 @!p0 s1  }
0xa5: {  	[bflag:$0x3] =	sbarrier.arrive $0xFFFF  }
0xa6: {  	_ =	shalt  }

// kernel: kernel.14.cloned.1.call-start
scs
__scs_entry_jumppad:
0x0: {  	(pc) =	sbr.rel $0x88, $3  }
0x1: {  	(tag) =	ssettag $0x0;
	lr =	simm.s32 $0x1  }
0x2: {  	[smem:$0x3F8D] =	sst lr;
	_ =	strace $0xD0000000  }
0x3: {  	_ = 	snop  }
0x4: {  	_ = 	snop  }
0x5: {  	_ = 	snop  }
0x6: {  	_ = 	snop  }
0x7: {  	_ = 	snop  }
__scs_overlays_trampoline_lowered:
0x8: {  	[smem:$0x3F9C] =	sst s0  }
0x9: {  	[smem:$0x3F9D] =	sst s1  }
0xa: {  	[smem:$0x3F9E] =	sst s2  }
0xb: {  	[smem:$0x3F9F] =	sst s3  }
0xc: {  	[smem:$0x3FA0] =	sst s4  }
0xd: {  	[smem:$0x3FA1] =	sst s5  }
0xe: {  	[smem:$0x3FA2] =	sst s6  }
0xf: {  	[smem:$0x3FA3] =	sst s7  }
0x10: {  	[smem:$0x3FA4] =	sst s8  }
0x11: {  	[smem:$0x3FA5] =	sst s9;
	s0 =	simm.s32 @!p0 $0x0  }
0x12: {  	s1 =	sld [smem:$0x3F8B];
	s0 =	simm.s32 @p0 $0x1  }
0x13: {  	[smem:$0x3FA6] =	sst s0;
	s0 =	simm.s32 @!p1 $0x0  }
0x14: {  	s2 =	sld [smem:$0x3F8A];
	s0 =	simm.s32 @p1 $0x1  }
0x15: {  	[smem:$0x3FA7] =	sst s0;
	s0 =	simm.s32 @!p2 $0x0  }
0x16: {  	s3 =	sld [smem:$0x3FDB];
	s0 =	simm.s32 @p2 $0x1  }
0x17: {  	s4 =	simm.s32 $0x1BF5;
	[smem:$0x3FA9] =	sst s0  }
0x18: {  	s0 =	sld [smem:$0x3F8C];
	_ =	swait.ge [sflag:s4], $0x0  }
0x19: {  	s7 =	sld [smem:$0x3F8D]  }
0x1a: {  	s8 =	sadd.s32 $0xFFFFE003, lr  }
0x1b: {  	s9 =	sadd.s32 $0xFFFFFEF7, lr;
	s5 =	simm.s32 $0xFFFFFFFF;
	p2 =	slt.u32 s8, $0xFFFFF086  }
0x1c: {  	p1 =	slt.u32 s9, $0xF7A;
	s5 =	simm.s32 @!p2 $0x0  }
0x1d: {  	s5 =	simm.s32 @p1 $0x1;
	p0 =	seq.s32 s7, s2  }
0x1e: {  	s7 =	smul.u32 @!p0 $0xF7A, s2;
	p2 =	seq.s32 @!p0 s5, $0x0  }
0x1f: {  	s9 =	smul.u32 $0xF7A, s1;
	s8 =	simm.s32 @!p0 $0x1BF5;
	p2 =	por !p2, p0  }
0x20: {  	[sflag:s8] =	ssyncset.s32 @!p0 $0xFFFFF086;
	s6 =	sadd.s32 @!p0 s3, s7;
	s7 =	simm.s32 @!p0 $0x108  }
0x21: {  	s3 =	sadd.s32 s3, s9;
	s6 =	sadd.s32 @!p0 $0x88, s6;
	s7 =	simm.s32 @p2 $0x1082  }
0x22: {  	[simem:s7], [sflag:s8] =	dma.local @!p0 [hbm:s6], $0xF7A  }
0x23: {  	s9 =	sor.u32 $0xD0000000, s2;
	s6 =	simm.s32 $0x108;
	_ =	swait.ge @!p0 [sflag:s8], $0x0  }
0x24: {  	s3 =	sadd.s32 $0x88, s3;
	s6 =	simm.s32 @!p1 $0x1082;
	[sflag:s4] =	ssyncset.s32 $0xFFFFF086  }
0x25: {  	[simem:s6], [sflag:s4] =	dma.local [hbm:s3], $0xF7A  }
0x26: {  	[smem:$0x3F8D] =	sst s1;
	(tag) =	ssettag s2;
	_ =	strace s9  }
0x27: {  	s1 =	sld [smem:$0x3F9D]  }
0x28: {  	s2 =	sld [smem:$0x3F9E]  }
0x29: {  	s4 =	sld [smem:$0x3FA0]  }
0x2a: {  	p0 =	seq.s32 s5, $0x0;
	s5 =	sld [smem:$0x3FA1]  }
0x2b: {  	s6 =	sld [smem:$0x3FA2]  }
0x2c: {  	s7 =	sld [smem:$0x3FA3]  }
0x2d: {  	s3 =	simm.s32 $0x108;
	s8 =	sld [smem:$0x3FA4]  }
0x2e: {  	s3 =	simm.s32 @!p0 $0x1082;
	s9 =	sld [smem:$0x3FA5]  }
0x2f: {  	lr =	sadd.s32 s0, s3;
	s0 =	sld [smem:$0x3F9C]  }
0x30: {  	s3 =	sld [smem:$0x3F9F]  }
0x31: {  	[smem:$0x3FA8] =	sst s10  }
0x32: {  	s10 =	sld [smem:$0x3FA6];
	_ =	sdelay $0x3  }
0x33: {  	p0 =	seq.s32 s10, $0x1;
	s10 =	sld [smem:$0x3FA8];
	_ =	sdelay $0x3  }
0x34: {  	[smem:$0x3FA8] =	sst s10  }
0x35: {  	s10 =	sld [smem:$0x3FA7];
	_ =	sdelay $0x3  }
0x36: {  	p1 =	seq.s32 s10, $0x1;
	s10 =	sld [smem:$0x3FA8];
	_ =	sdelay $0x3  }
0x37: {  	[smem:$0x3FA8] =	sst s10  }
0x38: {  	s10 =	sld [smem:$0x3FA9]  }
0x39: {  	_ = 	snop;
	(pc) =	sbr.ind lr, $3  }
0x3a: {  	_ = 	snop  }
0x3b: {  	_ = 	snop  }
0x3c: {  	p2 =	seq.s32 s10, $0x1;
	s10 =	sld [smem:$0x3FA8]  }
0x3d: {  	_ =	shalt  }
0x3e: {  	_ =	shalt  }
0x3f: {  	_ =	shalt  }
0x40: {  	_ =	shalt  }
0x41: {  	_ =	shalt  }
0x42: {  	_ =	shalt  }
0x43: {  	_ =	shalt  }
0x44: {  	_ =	shalt  }
0x45: {  	_ =	shalt  }
0x46: {  	_ =	shalt  }
0x47: {  	_ =	shalt  }
0x48: {  	_ =	shalt  }
0x49: {  	_ =	shalt  }
0x4a: {  	_ =	shalt  }
0x4b: {  	_ =	shalt  }
0x4c: {  	_ =	shalt  }
0x4d: {  	_ =	shalt  }
0x4e: {  	_ =	shalt  }
0x4f: {  	_ =	shalt  }
0x50: {  	_ =	shalt  }
0x51: {  	_ =	shalt  }
0x52: {  	_ =	shalt  }
0x53: {  	_ =	shalt  }
0x54: {  	_ =	shalt  }
0x55: {  	_ =	shalt  }
0x56: {  	_ =	shalt  }
0x57: {  	_ =	shalt  }
0x58: {  	_ =	shalt  }
0x59: {  	_ =	shalt  }
0x5a: {  	_ =	shalt  }
0x5b: {  	_ =	shalt  }
0x5c: {  	_ =	shalt  }
0x5d: {  	_ =	shalt  }
0x5e: {  	_ =	shalt  }
0x5f: {  	_ =	shalt  }
0x60: {  	_ =	shalt  }
0x61: {  	_ =	shalt  }
0x62: {  	_ =	shalt  }
0x63: {  	_ =	shalt  }
0x64: {  	_ =	shalt  }
0x65: {  	_ =	shalt  }
0x66: {  	_ =	shalt  }
0x67: {  	_ =	shalt  }
0x68: {  	_ =	shalt  }
0x69: {  	_ =	shalt  }
0x6a: {  	_ =	shalt  }
0x6b: {  	_ =	shalt  }
0x6c: {  	_ =	shalt  }
0x6d: {  	_ =	shalt  }
0x6e: {  	_ =	shalt  }
0x6f: {  	_ =	shalt  }
0x70: {  	_ =	shalt  }
0x71: {  	_ =	shalt  }
0x72: {  	_ =	shalt  }
0x73: {  	_ =	shalt  }
0x74: {  	_ =	shalt  }
0x75: {  	_ =	shalt  }
0x76: {  	_ =	shalt  }
0x77: {  	_ =	shalt  }
0x78: {  	_ =	shalt  }
0x79: {  	_ =	shalt  }
0x7a: {  	_ =	shalt  }
0x7b: {  	_ =	shalt  }
0x7c: {  	_ =	shalt  }
0x7d: {  	_ =	shalt  }
0x7e: {  	_ =	shalt  }
0x7f: {  	_ =	shalt  }
0x80: {  	_ =	shalt  }
0x81: {  	_ =	shalt  }
0x82: {  	_ =	shalt  }
0x83: {  	_ =	shalt  }
0x84: {  	_ =	shalt  }
0x85: {  	_ =	shalt  }
0x86: {  	_ =	shalt  }
0x87: {  	_ =	shalt  }
.Lfunc_end0:
.L_simem_size_0:
called_computation.2_lowered:
.L_overlay_start_0:
0x88: {  	s2 =	sld [smem:$0x3FD9]  }
0x89: {  	s3 =	sld [smem:$0x3FFE];
	_ =	sdelay $0x1  }
0x8a: {  	s1 =	srdreg.scid  }
0x8b: {  	s0 =	sand.u32 $0x1, s1  }
0x8c: {  	s16 =	sshll.u32 s0, $0xA;
	s2 =	sadd.s32 s3, s2  }
0x8d: {  	s2 =	sadd.s32 s2, s16  }
0x8e: {  	[smem:$0x3FB4] =	sst s2  }
0x8f: {  	_ = 	snop  }
0x90: {  	(tm) =	ssettm $0x1  }
0x91: {  	s17 =	sld [smem:$0x3FFB];
	_ =	sdelay $0x3  }
0x92: {  	_ =	strace s17  }
0x93: {  	s2 =	sld [smem:$0x3FFC];
	_ =	sdelay $0x3  }
0x94: {  	_ =	strace s2  }
0x95: {  	s2 =	sld [smem:$0x3FFD];
	_ =	sdelay $0x3  }
0x96: {  	_ =	strace s2  }
0x97: {  	_ =	strace $0x8FFFFFFF  }
0x98: {  	s18 =	sld [smem:$0x3FDB];
	_ =	sdelay $0x1  }
0x99: {  	s19 =	simm.s32 $_scs_section_size  }
0x9a: {  	s4 =	simm.s32 $_size__tile_overlayer_lowered;
	s5 =	simm.s32 $_tile_overlayer_lowered  }
0x9b: {  	s22 =	simm.s32 $0x1BFF;
	s21 =	sshll.u32 s5, $0x1;
	s2 =	sadd.s32 s19, s18  }
0x9c: {  	s6 =	simm.s32 $0x0;
	s20 =	sshll.u32 s4, $0x1;
	s4 =	sadd.s32 s21, s2  }
0x9d: {  	[timem:s6], [sflag:s22] =	dma.local [hbm:s4], s20  }
0x9e: {  	_ =	swait.ge [sflag:s22], s20  }
0x9f: {  	s3 =	ssub.s32 $0x0, s20;
	[sflag:s22] =	ssyncset.done $0x0  }
0xa0: {  	[sflag:s22] =	ssyncadd.s32 s3;
	_ =	sdelay $0x1  }
0xa1: {  	s23 =	simm.s32 $0x1B8B  }
0xa2: {  	_ =	swait.ge [sflag:s23], $0x1  }
0xa3: {  	[sflag:s23] =	ssyncset.done $0x0  }
0xa4: {  	s25 =	simm.s32 $0x1B8E;
	s24 =	sld [smem:$0x3FFE];
	[sflag:s23] =	ssyncadd.s32 $0xFFFFFFFF  }
0xa5: {  	s26 =	simm.s32 $execute0_lowered;
	[smem:$0x3FD2] =	sst s25  }
0xa6: {  	s4 =	sshll.u32 s26, $0x1;
	_ =	strace $0x8000004C;
	[dreg:$0x1] =	wrdreg $0xFFFFFFFF  }
0xa7: {  	s28 =	simm.s32 $_size_execute0_lowered;
	s2 =	sadd.s32 s2, s4;
	[dreg:$0x0] =	wrdreg $0x0  }
0xa8: {  	s4 =	sshll.u32 s28, $0x1;
	[dreg:$0x2] =	wrdreg s2  }
0xa9: {  	[dreg:$0x3] =	wrdreg s4  }
0xaa: {  	[dreg:$0x4] =	wrdreg $0xC0  }
0xab: {  	_ =	task [dreg:s6], $0x5FFFF  }
0xac: {  	[dreg:$0x1] =	wrdreg $0xFFFFFFFF  }
0xad: {  	[dreg:$0x0] =	wrdreg $0x60  }
0xae: {  	[dreg:$0x2] =	wrdreg s24  }
0xaf: {  	[dreg:$0x3] =	wrdreg $0x51000  }
0xb0: {  	[dreg:$0x4] =	wrdreg $0x9  }
0xb1: {  	_ =	task.clear_ibuf [dreg:s6], $0x5FFFF;
	_ =	strace $0x9000004C  }
0xb2: {  	s29 =	simm.s32 $0x9;
	_ =	strace $0x8000004E  }
0xb3: {  	_ =	swait.ge [sflag:s29], $0x1  }
0xb4: {  	[sflag:s29] =	ssyncadd.s32 $0xFFFFFFFF  }
0xb5: {  	_ =	strace $0x9000004E  }
0xb6: {  	_ =	sfence  }
0xb7: {  	s30 =	sld [smem:$0x0];
	_ =	sdelay $0x2  }
0xb8: {  	s31 =	sshll.u32 s1, $0xD;
	s1 =	sshrl.u32 s1, $0x2  }
0xb9: {  	s3 =	sand.u32 $0x4000, s31;
	s1 =	sadd.s32 s1, s30  }
0xba: {  	s0 =	sor.u32 s3, s0;
	s1 =	sshll.u32 s1, $0x11  }
0xbb: {  	s0 =	sor.u32 s1, s0  }
0xbc: {  	s0 =	sadd.s32 $0x8F2B, s0  }
0xbd: {  	[sflag:s0] =	ssyncadd.remote.s32 $0x1  }
0xbe: {  	_ =	sfence.sel $0xFFFF  }
0xbf: {  	[dreg:$0x0] =	wrdreg $0xFFFFFFFF;
	(pc) =	sbr.abs _section_cstart, $3  }
0xc0: {  	[dreg:$0x1] =	wrdreg $0xFFFFFFFF  }
0xc1: {  	_ =	task.clear_ibuf [dreg:s6], $0x2FFFF;
	_ =	strace $0x9FFFFFFF  }
0xc2: {  	(tm) =	ssettm $0x7FFFFFFF  }
0xc3: {  	_ =	shalt  }
tec
execute0_lowered:
.L_overlay_start_1:
0x0: {  	(tag) =	ssettag $0x1  }
0x1: {  	s5 =	rddreg [dreg:$0x0]  }
0x2: {  	s2 =	rddreg [dreg:$0x1]  }
0x3: {  	s0 =	rddreg [dreg:$0x2];
	s1 =	stileid.u32  }
0x4: {  	s4 =	srdreg.scid;
	s6 =	smul.u32 $0x14000, s1  }
0x5: {  	s3 =	simm.s32 $0x0;
	s17 =	simm.s32 $0x80;
	s22 =	smul.u32 $0x50000, s1  }
0x6: {  	s18 =	simm.s32 $0x2900;
	s19 =	simm.s32 $0x1;
	s13 =	smul.u32 $0x2710, s1  }
0x7: {  	s20 =	simm.s32 $0x50;
	s7 =	sand.u32 $0x1, s4;
	s16 =	smul.u32 $0x27100, s1  }
0x8: {  	[smem:$0x7FF] =	sst s3;
	s10 =	sadd.s32 $0xCA2400, s5;
	s8 =	smul.u32 $0x140000, s7  }
0x9: {  	s4 =	sadd.s32 $0x5E600, s5;
	s25 =	sshll.u32 s1, $0x6;
	s12 =	smul.u32 $0x27100, s7  }
0xa: {  	_ =	strace $0x8000004D;
	s23 =	ssub.s32 $0x2, s7;
	s29 =	smul.u32 $0x271000, s7  }
0xb: {  	s9 =	sshrl.u32 s6, $0x3;
	s24 =	sshrl.u32 s23, $0x1;
	s6 =	sadd.s32 s6, s8  }
0xc: {  	s21 =	sadd.s32 s9, s5;
	s9 =	sshrl.u32 s22, $0x2;
	s14 =	ssub.s32 s23, s24  }
0xd: {  	s12 =	sadd.s32 s13, s12;
	s30 =	sadd.s32 s29, s10;
	s22 =	simm.s32 $0x0  }
0xe: {  	s6 =	sshrl.u32 s6, $0x3;
	s15 =	sadd.s32 s9, s2;
	s26 =	sshrl.u32 s12, $0x3  }
0xf: {  	s28 =	sshll.u32 s12, $0x4;
	s31 =	sadd.s32 $0x50, s12;
	s12 =	sadd.s32 $0xA0, s12  }
0x10: {  	s11 =	sadd.s32 s6, s5;
	s5 =	sadd.s32 $0x4800, s21;
	s6 =	sor.u32 $0x1C03, s25  }
0x11: {  	s7 =	sadd.s32 s4, s26;
	s8 =	sadd.s32 s10, s28;
	s10 =	smax.u32 s14, $0x1  }
0x12: {  	s13 =	sshrl.u32 s31, $0x3;
	s14 =	sshrl.u32 s15, $0x3;
	s15 =	simm.s32 $0x3  }
0x13: {  	s21 =	simm.s32 $0x2;
	s9 =	sadd.s32 $0x68400, s11;
	s11 =	sadd.s32 s16, s30  }
0x14: {  	s13 =	sadd.s32 s13, s4;
	s16 =	simm.s32 $0x100;
	s11 =	sadd.s32 $0xA00, s11  }
.LBB2_1:
0x15: {  	[spmem:s14], [sflag:s6] =	dma.local [hbm:s5], $0x2800  }
0x16: {  	_ =	swait.ge [sflag:s15], $0x2800  }
0x17: {  	[sflag:s15] =	ssyncset.done $0x0  }
0x18: {  	[sflag:s15] =	ssyncadd.s32 $0xFFFFD800  }
0x19: {  	[bflag:$0x0] =	sbarrier.arrive $0xFFFF  }
0x1a: {  	[tilespmem:s3], [sflag:$0x3] =	stream.linear.gather [hbm4b:s7+s3], $0x50, $0x38;
	[tilespmem:$0x19100] =	vst v63  }
0x1b: {  	_ =	swait.ge [sflag:s15], $0x50  }
0x1c: {  	[sflag:s15] =	ssyncset.done $0x0  }
0x1d: {  	[sflag:s15] =	ssyncadd.s32 $0xFFFFFFB0  }
0x1e: {  	[tilespmem:s16], [sflag:$0x1] =	stream.linear.gather [hbm4b:s8+s3], $0x2800, $0x38;
	[tilespmem:$0x19100] =	vst v63  }
0x1f: {  	s23 =	sadd.s32 $0x0, s13  }
0x20: {  	[tilespmem:s17], [sflag:$0x3] =	stream.linear.gather [hbm4b:s23+s3], $0x50, $0x38;
	[tilespmem:$0x19100] =	vst v63  }
0x21: {  	_ =	swait.ge [sflag:s15], $0x50  }
0x22: {  	[sflag:s15] =	ssyncset.done $0x0  }
0x23: {  	s30 =	sadd.s32 $0xFFFFFB00, s11;
	[sflag:s15] =	ssyncadd.s32 $0xFFFFFFB0  }
0x24: {  	[tilespmem:s18], [sflag:$0x2] =	stream.linear.gather [hbm4b:s30+s3], $0x2800, $0x38;
	[tilespmem:$0x19100] =	vst v63  }
0x25: {  	_ =	swait.ge [sflag:s19], $0x2800  }
0x26: {  	[sflag:s19] =	ssyncset.done $0x0  }
0x27: {  	[sflag:s19] =	ssyncadd.s32 $0xFFFFD800  }
0x28: {  	[spmem:s2] =	stream.indirect.scatter.add.f32 [tilespmem:s16], [sflag:$0x3], $0x80, s3, s20, $0xb8;
	[tilespmem:$0x19100] =	vst v63  }
0x29: {  	_ =	swait.ge [sflag:s15], $0x2800  }
0x2a: {  	s31 =	sshrl.u32 s12, $0x3;
	[sflag:s15] =	ssyncset.done $0x0  }
0x2b: {  	s23 =	sadd.s32 s4, s31;
	[sflag:s15] =	ssyncadd.s32 $0xFFFFD800  }
0x2c: {  	[tilespmem:s3], [sflag:$0x3] =	stream.linear.gather [hbm4b:s23+s3], $0x50, $0x38;
	[tilespmem:$0x19100] =	vst v63  }
0x2d: {  	_ =	swait.ge [sflag:s15], $0x50  }
0x2e: {  	[sflag:s15] =	ssyncset.done $0x0  }
0x2f: {  	[sflag:s15] =	ssyncadd.s32 $0xFFFFFFB0  }
0x30: {  	[tilespmem:s16], [sflag:$0x1] =	stream.linear.gather [hbm4b:s11+s3], $0x2800, $0x38;
	[tilespmem:$0x19100] =	vst v63  }
0x31: {  	_ =	swait.ge [sflag:s21], $0x2800  }
0x32: {  	[sflag:s21] =	ssyncset.done $0x0  }
0x33: {  	[sflag:s21] =	ssyncadd.s32 $0xFFFFD800  }
0x34: {  	[spmem:s2] =	stream.indirect.scatter.add.f32 [tilespmem:s18], [sflag:$0x3], $0x80, s17, s20, $0xb8;
	[tilespmem:$0x19100] =	vst v63  }
0x35: {  	s25 =	simm.s32 $0x14;
	s26 =	simm.s32 $0x28;
	_ =	swait.ge [sflag:s15], $0x2800  }
0x36: {  	s24 =	sadd.s32 $0xA0, s12;
	s23 =	sadd.s32 $0xA00, s11;
	[sflag:s15] =	ssyncset.done $0x0  }
.LBB2_2:
0x37: {  	s28 =	sadd.s32 s25, s13  }
0x38: {  	[sflag:s15] =	ssyncadd.s32 $0xFFFFD800;
	s25 =	smov.u32 s26;
	s29 =	sadd.s32 $0x14, s26  }
0x39: {  	[tilespmem:s17], [sflag:$0x3] =	stream.linear.gather [hbm4b:s28+s3], $0x50, $0x38;
	[tilespmem:$0x19100] =	vst v63  }
0x3a: {  	p0 =	sne.s32 s26, $0x4C4;
	_ =	swait.ge [sflag:s15], $0x50  }
0x3b: {  	[sflag:s15] =	ssyncset.done $0x0  }
0x3c: {  	s26 =	sadd.s32 $0xFFFFFB00, s23;
	[sflag:s15] =	ssyncadd.s32 $0xFFFFFFB0  }
0x3d: {  	[tilespmem:s18], [sflag:$0x2] =	stream.linear.gather [hbm4b:s26+s3], $0x2800, $0x38;
	[tilespmem:$0x19100] =	vst v63  }
0x3e: {  	_ =	swait.ge [sflag:s19], $0x2800  }
0x3f: {  	[sflag:s19] =	ssyncset.done $0x0  }
0x40: {  	[sflag:s19] =	ssyncadd.s32 $0xFFFFD800  }
0x41: {  	[spmem:s2] =	stream.indirect.scatter.add.f32 [tilespmem:s16], [sflag:$0x3], $0x80, s3, s20, $0xb8;
	[tilespmem:$0x19100] =	vst v63  }
0x42: {  	_ =	swait.ge [sflag:s15], $0x2800  }
0x43: {  	s26 =	sshrl.u32 s24, $0x3;
	[sflag:s15] =	ssyncset.done $0x0  }
0x44: {  	s26 =	sadd.s32 s4, s26;
	[sflag:s15] =	ssyncadd.s32 $0xFFFFD800  }
0x45: {  	[tilespmem:s3], [sflag:$0x3] =	stream.linear.gather [hbm4b:s26+s3], $0x50, $0x38;
	[tilespmem:$0x19100] =	vst v63  }
0x46: {  	_ =	swait.ge [sflag:s15], $0x50  }
0x47: {  	[sflag:s15] =	ssyncset.done $0x0  }
0x48: {  	[sflag:s15] =	ssyncadd.s32 $0xFFFFFFB0  }
0x49: {  	[tilespmem:s16], [sflag:$0x1] =	stream.linear.gather [hbm4b:s23+s3], $0x2800, $0x38;
	[tilespmem:$0x19100] =	vst v63  }
0x4a: {  	_ =	swait.ge [sflag:s21], $0x2800  }
.Ltmp0:
0x4b: {  	[sflag:s21] =	ssyncset.done $0x0;
	(pc) =	sbr.rel @p0 .LBB2_2-.Ltmp0, $4  }
0x4c: {  	[sflag:s21] =	ssyncadd.s32 $0xFFFFD800  }
0x4d: {  	[spmem:s2] =	stream.indirect.scatter.add.f32 [tilespmem:s18], [sflag:$0x3], $0x80, s17, s20, $0xb8;
	[tilespmem:$0x19100] =	vst v63  }
0x4e: {  	s24 =	sadd.s32 $0xA0, s24;
	_ =	swait.ge [sflag:s15], $0x2800  }
0x4f: {  	s26 =	smov.u32 s29;
	s23 =	sadd.s32 $0xA00, s23;
	[sflag:s15] =	ssyncset.done $0x0  }
0x50: {  	s25 =	sadd.s32 s25, s13;
	[sflag:s15] =	ssyncadd.s32 $0xFFFFD800  }
0x51: {  	[tilespmem:s17], [sflag:$0x3] =	stream.linear.gather [hbm4b:s25+s3], $0x50, $0x38;
	[tilespmem:$0x19100] =	vst v63  }
0x52: {  	_ =	swait.ge [sflag:s15], $0x50  }
0x53: {  	[sflag:s15] =	ssyncset.done $0x0  }
0x54: {  	s31 =	sadd.s32 $0xFFFFFB00, s23;
	[sflag:s15] =	ssyncadd.s32 $0xFFFFFFB0  }
0x55: {  	[tilespmem:s18], [sflag:$0x2] =	stream.linear.gather [hbm4b:s31+s3], $0x2800, $0x38;
	[tilespmem:$0x19100] =	vst v63  }
0x56: {  	_ =	swait.ge [sflag:s19], $0x2800  }
0x57: {  	[sflag:s19] =	ssyncset.done $0x0  }
0x58: {  	[sflag:s19] =	ssyncadd.s32 $0xFFFFD800  }
0x59: {  	[spmem:s2] =	stream.indirect.scatter.add.f32 [tilespmem:s16], [sflag:$0x3], $0x80, s3, s20, $0xb8;
	[tilespmem:$0x19100] =	vst v63  }
0x5a: {  	_ =	swait.ge [sflag:s15], $0x2800  }
0x5b: {  	s24 =	sshrl.u32 s24, $0x3;
	[sflag:s15] =	ssyncset.done $0x0  }
0x5c: {  	s24 =	sadd.s32 s4, s24;
	[sflag:s15] =	ssyncadd.s32 $0xFFFFD800  }
0x5d: {  	[tilespmem:s3], [sflag:$0x3] =	stream.linear.gather [hbm4b:s24+s3], $0x50, $0x38;
	[tilespmem:$0x19100] =	vst v63  }
0x5e: {  	_ =	swait.ge [sflag:s15], $0x50  }
0x5f: {  	[sflag:s15] =	ssyncset.done $0x0  }
0x60: {  	[sflag:s15] =	ssyncadd.s32 $0xFFFFFFB0  }
0x61: {  	[tilespmem:s16], [sflag:$0x1] =	stream.linear.gather [hbm4b:s23+s3], $0x2800, $0x38;
	[tilespmem:$0x19100] =	vst v63  }
0x62: {  	_ =	swait.ge [sflag:s21], $0x2800  }
0x63: {  	[sflag:s21] =	ssyncset.done $0x0  }
0x64: {  	[sflag:s21] =	ssyncadd.s32 $0xFFFFD800  }
0x65: {  	[spmem:s2] =	stream.indirect.scatter.add.f32 [tilespmem:s18], [sflag:$0x3], $0x80, s17, s20, $0xb8;
	[tilespmem:$0x19100] =	vst v63  }
0x66: {  	_ =	swait.ge [sflag:s15], $0x2800  }
0x67: {  	[sflag:s15] =	ssyncset.done $0x0  }
0x68: {  	[sflag:s15] =	ssyncadd.s32 $0xFFFFD800  }
0x69: {  	_ =	swait.ge [sflag:s19], $0x2800  }
0x6a: {  	[sflag:s19] =	ssyncset.done $0x0  }
0x6b: {  	[sflag:s19] =	ssyncadd.s32 $0xFFFFD800  }
0x6c: {  	[spmem:s2] =	stream.indirect.scatter.add.f32 [tilespmem:s16], [sflag:$0x3], $0x80, s3, s20, $0xb8;
	[tilespmem:$0x19100] =	vst v63  }
0x6d: {  	_ =	swait.ge [sflag:s15], $0x2800  }
0x6e: {  	s22 =	sadd.s32 $0x1, s22;
	[sflag:s15] =	ssyncset.done $0x0  }
0x6f: {  	p0 =	sne.s32 s22, s10;
	[sflag:s15] =	ssyncadd.s32 $0xFFFFD800  }
.Ltmp1:
0x70: {  	[bflag:$0x0] =	sbarrier.arrive $0xFFFF;
	(pc) =	sbr.rel @p0 .LBB2_1-.Ltmp1, $4  }
0x71: {  	[hbm:s9], [sflag:s6] =	dma.local [spmem:s14], $0x2800  }
0x72: {  	_ =	swait.ge [sflag:s15], $0x2800  }
0x73: {  	[sflag:s15] =	ssyncset.done $0x0  }
0x74: {  	[sflag:s15] =	ssyncadd.s32 $0xFFFFD800  }
0x75: {  	_ =	sfence.sel $0x180000  }
0x76: {  	[bflag:$0x0] =	sbarrier.arrive $0xFFFF  }
0x77: {  	p0 =	sne.s32 s1, $0x0;
	_ =	strace $0x9000004D  }
0x78: {  	s0 =	sadd.s32 @!p0 $0x100000, s0;
	[bflag:$0x2] =	sbarrier.arrive $0xFFFF  }
0x79: {  	[sflag:s0] =	ssyncadd.tile.s32 @!p0 $0x1;
	_ =	shalt  }
.Lfunc_end2:
_tile_overlayer_lowered:
.L_overlay_start_2:
0x7a: {  	(tag) =	ssettag $0x2  }
0x7b: {  	s0 =	rddreg [dreg:$0x0];
	s2 =	stileid.u32  }
0x7c: {  	s1 =	rddreg [dreg:$0x1];
	p0 =	sne.s32 s2, $0x0  }
0x7d: {  	s3 =	rddreg [dreg:$0x2];
	[bflag:$0x3] =	sbarrier.arrive $0xFFFF;
	s2 =	simm.s32 @!p0 $0x1C03  }
0x7e: {  	[timem:s3], [sflag:s2] =	dma.local @!p0 [hbm:s0], s1  }
0x7f: {  	s0 =	simm.s32 @!p0 $0x3  }
0x80: {  	_ =	swait.ge @!p0 [sflag:s0], s1  }
0x81: {  	s1 =	ssub.s32 @!p0 $0x0, s1;
	[sflag:s0] =	ssyncset.done @!p0 $0x0  }
0x82: {  	[sflag:s0] =	ssyncadd.s32 @!p0 s1  }
0x83: {  	[bflag:$0x3] =	sbarrier.arrive $0xFFFF  }
0x84: {  	_ =	shalt  }

// kernel: kernel.8.cloned.1.call-start
scs
__scs_entry_jumppad:
0x0: {  	(pc) =	sbr.rel $0x88, $3  }
0x1: {  	(tag) =	ssettag $0x0;
	lr =	simm.s32 $0x1  }
0x2: {  	[smem:$0x3F8D] =	sst lr;
	_ =	strace $0xD0000000  }
0x3: {  	_ = 	snop  }
0x4: {  	_ = 	snop  }
0x5: {  	_ = 	snop  }
0x6: {  	_ = 	snop  }
0x7: {  	_ = 	snop  }
__scs_overlays_trampoline_lowered:
0x8: {  	[smem:$0x3F9C] =	sst s0  }
0x9: {  	[smem:$0x3F9D] =	sst s1  }
0xa: {  	[smem:$0x3F9E] =	sst s2  }
0xb: {  	[smem:$0x3F9F] =	sst s3  }
0xc: {  	[smem:$0x3FA0] =	sst s4  }
0xd: {  	[smem:$0x3FA1] =	sst s5  }
0xe: {  	[smem:$0x3FA2] =	sst s6  }
0xf: {  	[smem:$0x3FA3] =	sst s7  }
0x10: {  	[smem:$0x3FA4] =	sst s8  }
0x11: {  	[smem:$0x3FA5] =	sst s9;
	s0 =	simm.s32 @!p0 $0x0  }
0x12: {  	s1 =	sld [smem:$0x3F8B];
	s0 =	simm.s32 @p0 $0x1  }
0x13: {  	[smem:$0x3FA6] =	sst s0;
	s0 =	simm.s32 @!p1 $0x0  }
0x14: {  	s2 =	sld [smem:$0x3F8A];
	s0 =	simm.s32 @p1 $0x1  }
0x15: {  	[smem:$0x3FA7] =	sst s0;
	s0 =	simm.s32 @!p2 $0x0  }
0x16: {  	s3 =	sld [smem:$0x3FDB];
	s0 =	simm.s32 @p2 $0x1  }
0x17: {  	s4 =	simm.s32 $0x1BF5;
	[smem:$0x3FA9] =	sst s0  }
0x18: {  	s0 =	sld [smem:$0x3F8C];
	_ =	swait.ge [sflag:s4], $0x0  }
0x19: {  	s7 =	sld [smem:$0x3F8D]  }
0x1a: {  	s8 =	sadd.s32 $0xFFFFE003, lr  }
0x1b: {  	s9 =	sadd.s32 $0xFFFFFEF7, lr;
	s5 =	simm.s32 $0xFFFFFFFF;
	p2 =	slt.u32 s8, $0xFFFFF086  }
0x1c: {  	p1 =	slt.u32 s9, $0xF7A;
	s5 =	simm.s32 @!p2 $0x0  }
0x1d: {  	s5 =	simm.s32 @p1 $0x1;
	p0 =	seq.s32 s7, s2  }
0x1e: {  	s7 =	smul.u32 @!p0 $0xF7A, s2;
	p2 =	seq.s32 @!p0 s5, $0x0  }
0x1f: {  	s9 =	smul.u32 $0xF7A, s1;
	s8 =	simm.s32 @!p0 $0x1BF5;
	p2 =	por !p2, p0  }
0x20: {  	[sflag:s8] =	ssyncset.s32 @!p0 $0xFFFFF086;
	s6 =	sadd.s32 @!p0 s3, s7;
	s7 =	simm.s32 @!p0 $0x108  }
0x21: {  	s3 =	sadd.s32 s3, s9;
	s6 =	sadd.s32 @!p0 $0x88, s6;
	s7 =	simm.s32 @p2 $0x1082  }
0x22: {  	[simem:s7], [sflag:s8] =	dma.local @!p0 [hbm:s6], $0xF7A  }
0x23: {  	s9 =	sor.u32 $0xD0000000, s2;
	s6 =	simm.s32 $0x108;
	_ =	swait.ge @!p0 [sflag:s8], $0x0  }
0x24: {  	s3 =	sadd.s32 $0x88, s3;
	s6 =	simm.s32 @!p1 $0x1082;
	[sflag:s4] =	ssyncset.s32 $0xFFFFF086  }
0x25: {  	[simem:s6], [sflag:s4] =	dma.local [hbm:s3], $0xF7A  }
0x26: {  	[smem:$0x3F8D] =	sst s1;
	(tag) =	ssettag s2;
	_ =	strace s9  }
0x27: {  	s1 =	sld [smem:$0x3F9D]  }
0x28: {  	s2 =	sld [smem:$0x3F9E]  }
0x29: {  	s4 =	sld [smem:$0x3FA0]  }
0x2a: {  	p0 =	seq.s32 s5, $0x0;
	s5 =	sld [smem:$0x3FA1]  }
0x2b: {  	s6 =	sld [smem:$0x3FA2]  }
0x2c: {  	s7 =	sld [smem:$0x3FA3]  }
0x2d: {  	s3 =	simm.s32 $0x108;
	s8 =	sld [smem:$0x3FA4]  }
0x2e: {  	s3 =	simm.s32 @!p0 $0x1082;
	s9 =	sld [smem:$0x3FA5]  }
0x2f: {  	lr =	sadd.s32 s0, s3;
	s0 =	sld [smem:$0x3F9C]  }
0x30: {  	s3 =	sld [smem:$0x3F9F]  }
0x31: {  	[smem:$0x3FA8] =	sst s10  }
0x32: {  	s10 =	sld [smem:$0x3FA6];
	_ =	sdelay $0x3  }
0x33: {  	p0 =	seq.s32 s10, $0x1;
	s10 =	sld [smem:$0x3FA8];
	_ =	sdelay $0x3  }
0x34: {  	[smem:$0x3FA8] =	sst s10  }
0x35: {  	s10 =	sld [smem:$0x3FA7];
	_ =	sdelay $0x3  }
0x36: {  	p1 =	seq.s32 s10, $0x1;
	s10 =	sld [smem:$0x3FA8];
	_ =	sdelay $0x3  }
0x37: {  	[smem:$0x3FA8] =	sst s10  }
0x38: {  	s10 =	sld [smem:$0x3FA9]  }
0x39: {  	_ = 	snop;
	(pc) =	sbr.ind lr, $3  }
0x3a: {  	_ = 	snop  }
0x3b: {  	_ = 	snop  }
0x3c: {  	p2 =	seq.s32 s10, $0x1;
	s10 =	sld [smem:$0x3FA8]  }
0x3d: {  	_ =	shalt  }
0x3e: {  	_ =	shalt  }
0x3f: {  	_ =	shalt  }
0x40: {  	_ =	shalt  }
0x41: {  	_ =	shalt  }
0x42: {  	_ =	shalt  }
0x43: {  	_ =	shalt  }
0x44: {  	_ =	shalt  }
0x45: {  	_ =	shalt  }
0x46: {  	_ =	shalt  }
0x47: {  	_ =	shalt  }
0x48: {  	_ =	shalt  }
0x49: {  	_ =	shalt  }
0x4a: {  	_ =	shalt  }
0x4b: {  	_ =	shalt  }
0x4c: {  	_ =	shalt  }
0x4d: {  	_ =	shalt  }
0x4e: {  	_ =	shalt  }
0x4f: {  	_ =	shalt  }
0x50: {  	_ =	shalt  }
0x51: {  	_ =	shalt  }
0x52: {  	_ =	shalt  }
0x53: {  	_ =	shalt  }
0x54: {  	_ =	shalt  }
0x55: {  	_ =	shalt  }
0x56: {  	_ =	shalt  }
0x57: {  	_ =	shalt  }
0x58: {  	_ =	shalt  }
0x59: {  	_ =	shalt  }
0x5a: {  	_ =	shalt  }
0x5b: {  	_ =	shalt  }
0x5c: {  	_ =	shalt  }
0x5d: {  	_ =	shalt  }
0x5e: {  	_ =	shalt  }
0x5f: {  	_ =	shalt  }
0x60: {  	_ =	shalt  }
0x61: {  	_ =	shalt  }
0x62: {  	_ =	shalt  }
0x63: {  	_ =	shalt  }
0x64: {  	_ =	shalt  }
0x65: {  	_ =	shalt  }
0x66: {  	_ =	shalt  }
0x67: {  	_ =	shalt  }
0x68: {  	_ =	shalt  }
0x69: {  	_ =	shalt  }
0x6a: {  	_ =	shalt  }
0x6b: {  	_ =	shalt  }
0x6c: {  	_ =	shalt  }
0x6d: {  	_ =	shalt  }
0x6e: {  	_ =	shalt  }
0x6f: {  	_ =	shalt  }
0x70: {  	_ =	shalt  }
0x71: {  	_ =	shalt  }
0x72: {  	_ =	shalt  }
0x73: {  	_ =	shalt  }
0x74: {  	_ =	shalt  }
0x75: {  	_ =	shalt  }
0x76: {  	_ =	shalt  }
0x77: {  	_ =	shalt  }
0x78: {  	_ =	shalt  }
0x79: {  	_ =	shalt  }
0x7a: {  	_ =	shalt  }
0x7b: {  	_ =	shalt  }
0x7c: {  	_ =	shalt  }
0x7d: {  	_ =	shalt  }
0x7e: {  	_ =	shalt  }
0x7f: {  	_ =	shalt  }
0x80: {  	_ =	shalt  }
0x81: {  	_ =	shalt  }
0x82: {  	_ =	shalt  }
0x83: {  	_ =	shalt  }
0x84: {  	_ =	shalt  }
0x85: {  	_ =	shalt  }
0x86: {  	_ =	shalt  }
0x87: {  	_ =	shalt  }
.Lfunc_end0:
.L_simem_size_0:
called_computation_lowered:
.L_overlay_start_0:
0x88: {  	s2 =	sld [smem:$0x3FD9]  }
0x89: {  	s3 =	sld [smem:$0x3FFE];
	_ =	sdelay $0x1  }
0x8a: {  	s1 =	srdreg.scid  }
0x8b: {  	s0 =	sand.u32 $0x1, s1  }
0x8c: {  	s16 =	sshll.u32 s0, $0xA;
	s2 =	sadd.s32 s3, s2  }
0x8d: {  	s2 =	sadd.s32 s2, s16  }
0x8e: {  	[smem:$0x3FB4] =	sst s2  }
0x8f: {  	_ = 	snop  }
0x90: {  	(tm) =	ssettm $0x1  }
0x91: {  	s17 =	sld [smem:$0x3FFB];
	_ =	sdelay $0x3  }
0x92: {  	_ =	strace s17  }
0x93: {  	s2 =	sld [smem:$0x3FFC];
	_ =	sdelay $0x3  }
0x94: {  	_ =	strace s2  }
0x95: {  	s2 =	sld [smem:$0x3FFD];
	_ =	sdelay $0x3  }
0x96: {  	_ =	strace s2  }
0x97: {  	_ =	strace $0x8FFFFFFF  }
0x98: {  	s18 =	sld [smem:$0x3FDB];
	_ =	sdelay $0x1  }
0x99: {  	s19 =	simm.s32 $_scs_section_size  }
0x9a: {  	s4 =	simm.s32 $_size__tile_overlayer_lowered;
	s5 =	simm.s32 $_tile_overlayer_lowered  }
0x9b: {  	s22 =	simm.s32 $0x1BFF;
	s21 =	sshll.u32 s5, $0x1;
	s2 =	sadd.s32 s19, s18  }
0x9c: {  	s6 =	simm.s32 $0x0;
	s20 =	sshll.u32 s4, $0x1;
	s4 =	sadd.s32 s21, s2  }
0x9d: {  	[timem:s6], [sflag:s22] =	dma.local [hbm:s4], s20  }
0x9e: {  	_ =	swait.ge [sflag:s22], s20  }
0x9f: {  	s3 =	ssub.s32 $0x0, s20;
	[sflag:s22] =	ssyncset.done $0x0  }
0xa0: {  	[sflag:s22] =	ssyncadd.s32 s3;
	_ =	sdelay $0x1  }
0xa1: {  	s23 =	simm.s32 $0x1B8B  }
0xa2: {  	_ =	swait.ge [sflag:s23], $0x1  }
0xa3: {  	[sflag:s23] =	ssyncset.done $0x0  }
0xa4: {  	s25 =	simm.s32 $0x1B8E;
	s24 =	sld [smem:$0x3FFE];
	[sflag:s23] =	ssyncadd.s32 $0xFFFFFFFF  }
0xa5: {  	s26 =	simm.s32 $execute0_lowered;
	[smem:$0x3FD2] =	sst s25  }
0xa6: {  	s4 =	sshll.u32 s26, $0x1;
	_ =	strace $0x80000046;
	[dreg:$0x1] =	wrdreg $0xFFFFFFFF  }
0xa7: {  	s28 =	simm.s32 $_size_execute0_lowered;
	s2 =	sadd.s32 s2, s4;
	[dreg:$0x0] =	wrdreg $0x0  }
0xa8: {  	s4 =	sshll.u32 s28, $0x1;
	[dreg:$0x2] =	wrdreg s2  }
0xa9: {  	[dreg:$0x3] =	wrdreg s4  }
0xaa: {  	[dreg:$0x4] =	wrdreg $0xC0  }
0xab: {  	_ =	task [dreg:s6], $0x5FFFF  }
0xac: {  	[dreg:$0x1] =	wrdreg $0xFFFFFFFF  }
0xad: {  	[dreg:$0x0] =	wrdreg $0x60  }
0xae: {  	[dreg:$0x2] =	wrdreg s24  }
0xaf: {  	[dreg:$0x3] =	wrdreg $0xA2000  }
0xb0: {  	[dreg:$0x4] =	wrdreg $0x9  }
0xb1: {  	_ =	task.clear_ibuf [dreg:s6], $0x5FFFF;
	_ =	strace $0x90000046  }
0xb2: {  	s29 =	simm.s32 $0x9;
	_ =	strace $0x80000048  }
0xb3: {  	_ =	swait.ge [sflag:s29], $0x1  }
0xb4: {  	[sflag:s29] =	ssyncadd.s32 $0xFFFFFFFF  }
0xb5: {  	_ =	strace $0x90000048  }
0xb6: {  	_ =	sfence  }
0xb7: {  	s30 =	sld [smem:$0x0];
	_ =	sdelay $0x2  }
0xb8: {  	s31 =	sshll.u32 s1, $0xD;
	s1 =	sshrl.u32 s1, $0x2  }
0xb9: {  	s3 =	sand.u32 $0x4000, s31;
	s1 =	sadd.s32 s1, s30  }
0xba: {  	s0 =	sor.u32 s3, s0;
	s1 =	sshll.u32 s1, $0x11  }
0xbb: {  	s0 =	sor.u32 s1, s0  }
0xbc: {  	s0 =	sadd.s32 $0x8F2B, s0  }
0xbd: {  	[sflag:s0] =	ssyncadd.remote.s32 $0x1  }
0xbe: {  	_ =	sfence.sel $0xFFFF  }
0xbf: {  	[dreg:$0x0] =	wrdreg $0xFFFFFFFF;
	(pc) =	sbr.abs _section_cstart, $3  }
0xc0: {  	[dreg:$0x1] =	wrdreg $0xFFFFFFFF  }
0xc1: {  	_ =	task.clear_ibuf [dreg:s6], $0x2FFFF;
	_ =	strace $0x9FFFFFFF  }
0xc2: {  	(tm) =	ssettm $0x7FFFFFFF  }
0xc3: {  	_ =	shalt  }
tec
execute0_lowered:
.L_overlay_start_1:
0x0: {  	(tag) =	ssettag $0x1  }
0x1: {  	s5 =	rddreg [dreg:$0x0]  }
0x2: {  	s2 =	rddreg [dreg:$0x1]  }
0x3: {  	s0 =	rddreg [dreg:$0x2];
	s1 =	stileid.u32  }
0x4: {  	s3 =	simm.s32 $0x0;
	s6 =	srdreg.scid;
	s4 =	smul.u32 $0x2800, s1  }
0x5: {  	s20 =	simm.s32 $0x200;
	s21 =	simm.s32 $0x100;
	s28 =	smul.u32 $0x50000, s1  }
0x6: {  	s22 =	simm.s32 $0x5200;
	s23 =	simm.s32 $0x1;
	s8 =	smul.u32 $0x4E20, s1  }
0x7: {  	s24 =	simm.s32 $0x2;
	s25 =	simm.s32 $0x0;
	s12 =	smul.u32 $0x271000, s1  }
0x8: {  	[smem:$0x7FF] =	sst s3;
	s15 =	sadd.s32 $0x54800, s5;
	s18 =	smul.u32 $0x9C4, s1  }
0x9: {  	s11 =	sadd.s32 $0x5E600, s5;
	s16 =	sand.u32 $0x1, s6;
	s14 =	smul.u32 $0x4E200, s1  }
0xa: {  	s31 =	sshll.u32 s1, $0x6;
	_ =	strace $0x80000047;
	s7 =	ssub.s32 $0x2, s16  }
0xb: {  	p0 =	seq.s32 s16, $0x0;
	s16 =	sor.u32 $0x1C03, s31;
	s9 =	sadd.s32 s4, s5  }
0xc: {  	s4 =	sadd.s32 $0x68400, s5;
	s5 =	sadd.s32 $0x54A400, s5;
	s10 =	sshrl.u32 s7, $0x1  }
0xd: {  	s6 =	sshrl.u32 s28, $0x2;
	s29 =	sshrl.u32 s8, $0x3;
	s30 =	sshrl.u32 s12, $0x3  }
0xe: {  	s19 =	sadd.s32 s18, s11;
	s13 =	ssub.s32 s7, s10;
	s17 =	sadd.s32 s6, s2  }
.Ltmp0:
0xf: {  	s6 =	sadd.s32 $0x2C800, s9;
	s7 =	sadd.s32 s11, s29;
	(pc) =	sbr.rel .LBB2_1-.Ltmp0, $4  }
0x10: {  	s8 =	sadd.s32 $0x4D800, s30;
	s9 =	sadd.s32 $0x4800, s9;
	s10 =	sadd.s32 s15, s29  }
0x11: {  	s12 =	sadd.s32 s14, s5;
	s14 =	sadd.s32 s14, s4;
	s15 =	sadd.s32 s18, s15  }
0x12: {  	s18 =	simm.s32 $0x3;
	s11 =	smax.u32 s13, $0x1;
	s13 =	sadd.s32 $0x28, s19  }
0x13: {  	s15 =	sadd.s32 $0x28, s15;
	s17 =	sshrl.u32 s17, $0x3;
	s19 =	simm.s32 $0xA0  }
.LBB2_7:
0x14: {  	s29 =	sadd.s32 $0xFFFFFFEC, s26;
	[sflag:s18] =	ssyncadd.s32 $0xFFFFB000  }
0x15: {  	[tilespmem:s21], [sflag:$0x3] =	stream.linear.gather [hbm4b:s29+s3], $0xA0, $0x38;
	[tilespmem:$0x1E200] =	vst v63  }
0x16: {  	_ =	swait.ge [sflag:s18], $0xA0  }
0x17: {  	[sflag:s18] =	ssyncset.done $0x0  }
0x18: {  	[sflag:s18] =	ssyncadd.s32 $0xFFFFFF60  }
0x19: {  	[tilespmem:s22], [sflag:$0x2] =	stream.indirect.gather [spmem:s2], $0x80, s21, s19, $0xb8;
	[tilespmem:$0x1E200] =	vst v63  }
0x1a: {  	_ =	swait.ge [sflag:s23], $0x5000  }
0x1b: {  	[sflag:s23] =	ssyncset.done $0x0  }
0x1c: {  	s28 =	sadd.s32 s28, s14;
	[sflag:s23] =	ssyncadd.s32 $0xFFFFB000  }
0x1d: {  	[hbm4b:s28+s3] =	stream.linear.scatter [tilespmem:s20], [sflag:$0x3], $0x5000, $0x38;
	[tilespmem:$0x1E200] =	vst v63  }
0x1e: {  	_ =	swait.ge [sflag:s18], $0x5000  }
0x1f: {  	[sflag:s18] =	ssyncset.done $0x0  }
0x20: {  	[sflag:s18] =	ssyncadd.s32 $0xFFFFB000  }
0x21: {  	[tilespmem:s3], [sflag:$0x3] =	stream.linear.gather [hbm4b:s26+s3], $0xA0, $0x38;
	[tilespmem:$0x1E200] =	vst v63  }
0x22: {  	_ =	swait.ge [sflag:s18], $0xA0  }
0x23: {  	[sflag:s18] =	ssyncset.done $0x0  }
0x24: {  	[sflag:s18] =	ssyncadd.s32 $0xFFFFFF60  }
0x25: {  	[tilespmem:s20], [sflag:$0x1] =	stream.indirect.gather [spmem:s2], $0x80, s3, s19, $0xb8;
	[tilespmem:$0x1E200] =	vst v63  }
0x26: {  	_ =	swait.ge [sflag:s24], $0x5000  }
0x27: {  	[sflag:s24] =	ssyncset.done $0x0  }
0x28: {  	s31 =	sadd.s32 $0xA00, s28;
	[sflag:s24] =	ssyncadd.s32 $0xFFFFB000  }
0x29: {  	[hbm4b:s31+s3] =	stream.linear.scatter [tilespmem:s22], [sflag:$0x3], $0x5000, $0x38;
	[tilespmem:$0x1E200] =	vst v63  }
0x2a: {  	_ =	swait.ge [sflag:s18], $0x5000  }
0x2b: {  	[sflag:s18] =	ssyncset.done $0x0  }
0x2c: {  	s26 =	smov.u32 s4;
	[sflag:s18] =	ssyncadd.s32 $0xFFFFB000  }
.LBB2_8:
0x2d: {  	_ =	swait.ge [sflag:s23], $0x5000;
	s25 =	sadd.s32 $0x1, s25  }
0x2e: {  	[sflag:s23] =	ssyncset.done $0x0;
	p1 =	sne.s32 s25, s11  }
.Ltmp1:
0x2f: {  	s26 =	sadd.s32 s26, s8;
	[sflag:s23] =	ssyncadd.s32 $0xFFFFB000;
	(pc) =	sbr.rel @!p1 .LBB2_9-.Ltmp1, $4  }
0x30: {  	[hbm4b:s26+s3] =	stream.linear.scatter [tilespmem:s20], [sflag:$0x3], $0x5000, $0x38;
	[tilespmem:$0x1E200] =	vst v63  }
0x31: {  	_ =	swait.ge [sflag:s18], $0x5000  }
0x32: {  	[sflag:s18] =	ssyncset.done $0x0  }
0x33: {  	[sflag:s18] =	ssyncadd.s32 $0xFFFFB000  }
.LBB2_1:
.Ltmp2:
0x34: {  	(pc) =	sbr.rel @!p0 .LBB2_2-.Ltmp2, $1  }
0x35: {  	_ =	sdelay $0x3  }
0x36: {  	[spmem:s17], [sflag:s16] =	dma.local [hbm:s9], $0x2800  }
0x37: {  	_ =	swait.ge [sflag:s18], $0x2800  }
0x38: {  	[sflag:s18] =	ssyncset.done $0x0  }
0x39: {  	[sflag:s18] =	ssyncadd.s32 $0xFFFFD800  }
0x3a: {  	s26 =	simm.s32 $0x0;
	[bflag:$0x0] =	sbarrier.arrive $0xFFFF  }
0x3b: {  	[tilespmem:s26], [sflag:$0x3] =	stream.linear.gather [hbm4b:s10+s26], $0xA0, $0x38;
	[tilespmem:$0x1E200] =	vst v63  }
0x3c: {  	_ =	swait.ge [sflag:s18], $0xA0  }
0x3d: {  	[sflag:s18] =	ssyncset.done $0x0  }
0x3e: {  	[sflag:s18] =	ssyncadd.s32 $0xFFFFFF60  }
0x3f: {  	[tilespmem:s20], [sflag:$0x1] =	stream.indirect.gather [spmem:s2], $0x80, s26, s19, $0xb8;
	[tilespmem:$0x1E200] =	vst v63  }
0x40: {  	s30 =	sadd.s32 $0xFFFFFFEC, s15  }
0x41: {  	[tilespmem:s21], [sflag:$0x3] =	stream.linear.gather [hbm4b:s30+s3], $0xA0, $0x38;
	[tilespmem:$0x1E200] =	vst v63  }
0x42: {  	_ =	swait.ge [sflag:s18], $0xA0  }
0x43: {  	[sflag:s18] =	ssyncset.done $0x0  }
0x44: {  	[sflag:s18] =	ssyncadd.s32 $0xFFFFFF60  }
0x45: {  	[tilespmem:s22], [sflag:$0x2] =	stream.indirect.gather [spmem:s2], $0x80, s21, s19, $0xb8;
	[tilespmem:$0x1E200] =	vst v63  }
0x46: {  	_ =	swait.ge [sflag:s23], $0x5000  }
0x47: {  	[sflag:s23] =	ssyncset.done $0x0  }
0x48: {  	s31 =	sadd.s32 $0x0, s14;
	[sflag:s23] =	ssyncadd.s32 $0xFFFFB000  }
0x49: {  	[hbm4b:s31+s3] =	stream.linear.scatter [tilespmem:s20], [sflag:$0x3], $0x5000, $0x38;
	[tilespmem:$0x1E200] =	vst v63  }
0x4a: {  	_ =	swait.ge [sflag:s18], $0x5000  }
0x4b: {  	[sflag:s18] =	ssyncset.done $0x0  }
0x4c: {  	[sflag:s18] =	ssyncadd.s32 $0xFFFFB000  }
0x4d: {  	[tilespmem:s3], [sflag:$0x3] =	stream.linear.gather [hbm4b:s15+s3], $0xA0, $0x38;
	[tilespmem:$0x1E200] =	vst v63  }
0x4e: {  	_ =	swait.ge [sflag:s18], $0xA0  }
0x4f: {  	[sflag:s18] =	ssyncset.done $0x0  }
0x50: {  	[sflag:s18] =	ssyncadd.s32 $0xFFFFFF60  }
0x51: {  	[tilespmem:s20], [sflag:$0x1] =	stream.indirect.gather [spmem:s2], $0x80, s3, s19, $0xb8;
	[tilespmem:$0x1E200] =	vst v63  }
0x52: {  	_ =	swait.ge [sflag:s24], $0x5000  }
0x53: {  	[sflag:s24] =	ssyncset.done $0x0  }
0x54: {  	s26 =	sadd.s32 $0xA00, s31;
	[sflag:s24] =	ssyncadd.s32 $0xFFFFB000  }
0x55: {  	[hbm4b:s26+s3] =	stream.linear.scatter [tilespmem:s22], [sflag:$0x3], $0x5000, $0x38;
	[tilespmem:$0x1E200] =	vst v63  }
0x56: {  	s28 =	simm.s32 $0x1400;
	_ =	swait.ge [sflag:s18], $0x5000  }
0x57: {  	s29 =	simm.s32 $0x2800;
	s26 =	sadd.s32 $0x28, s15;
	[sflag:s18] =	ssyncset.done $0x0  }
.LBB2_6:
0x58: {  	p1 =	seq.s32 s29, $0x4C400;
	s30 =	sadd.s32 $0xFFFFFFEC, s26;
	[sflag:s18] =	ssyncadd.s32 $0xFFFFB000  }
0x59: {  	[tilespmem:s21], [sflag:$0x3] =	stream.linear.gather [hbm4b:s30+s3], $0xA0, $0x38;
	[tilespmem:$0x1E200] =	vst v63  }
0x5a: {  	s30 =	smov.u32 s29;
	s29 =	sadd.s32 $0x1400, s29;
	_ =	swait.ge [sflag:s18], $0xA0  }
0x5b: {  	[sflag:s18] =	ssyncset.done $0x0  }
0x5c: {  	[sflag:s18] =	ssyncadd.s32 $0xFFFFFF60  }
0x5d: {  	[tilespmem:s22], [sflag:$0x2] =	stream.indirect.gather [spmem:s2], $0x80, s21, s19, $0xb8;
	[tilespmem:$0x1E200] =	vst v63  }
0x5e: {  	_ =	swait.ge [sflag:s23], $0x5000  }
0x5f: {  	[sflag:s23] =	ssyncset.done $0x0  }
0x60: {  	s31 =	sadd.s32 s28, s14;
	s28 =	smov.u32 s30;
	[sflag:s23] =	ssyncadd.s32 $0xFFFFB000  }
0x61: {  	[hbm4b:s31+s3] =	stream.linear.scatter [tilespmem:s20], [sflag:$0x3], $0x5000, $0x38;
	[tilespmem:$0x1E200] =	vst v63  }
0x62: {  	_ =	swait.ge [sflag:s18], $0x5000  }
0x63: {  	[sflag:s18] =	ssyncset.done $0x0  }
0x64: {  	[sflag:s18] =	ssyncadd.s32 $0xFFFFB000  }
0x65: {  	[tilespmem:s3], [sflag:$0x3] =	stream.linear.gather [hbm4b:s26+s3], $0xA0, $0x38;
	[tilespmem:$0x1E200] =	vst v63  }
0x66: {  	_ =	swait.ge [sflag:s18], $0xA0  }
0x67: {  	[sflag:s18] =	ssyncset.done $0x0  }
0x68: {  	[sflag:s18] =	ssyncadd.s32 $0xFFFFFF60  }
0x69: {  	[tilespmem:s20], [sflag:$0x1] =	stream.indirect.gather [spmem:s2], $0x80, s3, s19, $0xb8;
	[tilespmem:$0x1E200] =	vst v63  }
0x6a: {  	_ =	swait.ge [sflag:s24], $0x5000  }
.Ltmp3:
0x6b: {  	[sflag:s24] =	ssyncset.done $0x0;
	(pc) =	sbr.rel @!p1 .LBB2_6-.Ltmp3, $4  }
0x6c: {  	s30 =	sadd.s32 $0xA00, s31;
	[sflag:s24] =	ssyncadd.s32 $0xFFFFB000  }
0x6d: {  	[hbm4b:s30+s3] =	stream.linear.scatter [tilespmem:s22], [sflag:$0x3], $0x5000, $0x38;
	[tilespmem:$0x1E200] =	vst v63  }
0x6e: {  	_ =	swait.ge [sflag:s18], $0x5000  }
0x6f: {  	s26 =	sadd.s32 $0x28, s26;
	[sflag:s18] =	ssyncset.done $0x0  }
.Ltmp4:
0x70: {  	_ = 	snop;
	(pc) =	sbr.rel .LBB2_7-.Ltmp4, $1  }
0x71: {  	_ =	sdelay $0x3  }
.LBB2_2:
0x72: {  	[spmem:s17], [sflag:s16] =	dma.local [hbm:s6], $0x2800  }
0x73: {  	_ =	swait.ge [sflag:s18], $0x2800  }
0x74: {  	[sflag:s18] =	ssyncset.done $0x0  }
0x75: {  	[sflag:s18] =	ssyncadd.s32 $0xFFFFD800  }
0x76: {  	s26 =	simm.s32 $0x0;
	[bflag:$0x0] =	sbarrier.arrive $0xFFFF  }
0x77: {  	[tilespmem:s26], [sflag:$0x3] =	stream.linear.gather [hbm4b:s7+s26], $0xA0, $0x38;
	[tilespmem:$0x1E200] =	vst v63  }
0x78: {  	_ =	swait.ge [sflag:s18], $0xA0  }
0x79: {  	[sflag:s18] =	ssyncset.done $0x0  }
0x7a: {  	[sflag:s18] =	ssyncadd.s32 $0xFFFFFF60  }
0x7b: {  	[tilespmem:s20], [sflag:$0x1] =	stream.indirect.gather [spmem:s2], $0x80, s26, s19, $0xb8;
	[tilespmem:$0x1E200] =	vst v63  }
0x7c: {  	s30 =	sadd.s32 $0xFFFFFFEC, s13  }
0x7d: {  	[tilespmem:s21], [sflag:$0x3] =	stream.linear.gather [hbm4b:s30+s3], $0xA0, $0x38;
	[tilespmem:$0x1E200] =	vst v63  }
0x7e: {  	_ =	swait.ge [sflag:s18], $0xA0  }
0x7f: {  	[sflag:s18] =	ssyncset.done $0x0  }
0x80: {  	[sflag:s18] =	ssyncadd.s32 $0xFFFFFF60  }
0x81: {  	[tilespmem:s22], [sflag:$0x2] =	stream.indirect.gather [spmem:s2], $0x80, s21, s19, $0xb8;
	[tilespmem:$0x1E200] =	vst v63  }
0x82: {  	_ =	swait.ge [sflag:s23], $0x5000  }
0x83: {  	[sflag:s23] =	ssyncset.done $0x0  }
0x84: {  	s31 =	sadd.s32 $0x0, s12;
	[sflag:s23] =	ssyncadd.s32 $0xFFFFB000  }
0x85: {  	[hbm4b:s31+s3] =	stream.linear.scatter [tilespmem:s20], [sflag:$0x3], $0x5000, $0x38;
	[tilespmem:$0x1E200] =	vst v63  }
0x86: {  	_ =	swait.ge [sflag:s18], $0x5000  }
0x87: {  	[sflag:s18] =	ssyncset.done $0x0  }
0x88: {  	[sflag:s18] =	ssyncadd.s32 $0xFFFFB000  }
0x89: {  	[tilespmem:s3], [sflag:$0x3] =	stream.linear.gather [hbm4b:s13+s3], $0xA0, $0x38;
	[tilespmem:$0x1E200] =	vst v63  }
0x8a: {  	_ =	swait.ge [sflag:s18], $0xA0  }
0x8b: {  	[sflag:s18] =	ssyncset.done $0x0  }
0x8c: {  	[sflag:s18] =	ssyncadd.s32 $0xFFFFFF60  }
0x8d: {  	[tilespmem:s20], [sflag:$0x1] =	stream.indirect.gather [spmem:s2], $0x80, s3, s19, $0xb8;
	[tilespmem:$0x1E200] =	vst v63  }
0x8e: {  	_ =	swait.ge [sflag:s24], $0x5000  }
0x8f: {  	[sflag:s24] =	ssyncset.done $0x0  }
0x90: {  	s26 =	sadd.s32 $0xA00, s31;
	[sflag:s24] =	ssyncadd.s32 $0xFFFFB000  }
0x91: {  	[hbm4b:s26+s3] =	stream.linear.scatter [tilespmem:s22], [sflag:$0x3], $0x5000, $0x38;
	[tilespmem:$0x1E200] =	vst v63  }
0x92: {  	s28 =	simm.s32 $0x1400;
	_ =	swait.ge [sflag:s18], $0x5000  }
0x93: {  	s29 =	simm.s32 $0x2800;
	s26 =	sadd.s32 $0x28, s13;
	[sflag:s18] =	ssyncset.done $0x0  }
.LBB2_3:
0x94: {  	p1 =	sne.s32 s29, $0x4C400;
	s30 =	sadd.s32 $0xFFFFFFEC, s26;
	[sflag:s18] =	ssyncadd.s32 $0xFFFFB000  }
0x95: {  	[tilespmem:s21], [sflag:$0x3] =	stream.linear.gather [hbm4b:s30+s3], $0xA0, $0x38;
	[tilespmem:$0x1E200] =	vst v63  }
0x96: {  	s30 =	smov.u32 s29;
	s29 =	sadd.s32 $0x1400, s29;
	_ =	swait.ge [sflag:s18], $0xA0  }
0x97: {  	[sflag:s18] =	ssyncset.done $0x0  }
0x98: {  	[sflag:s18] =	ssyncadd.s32 $0xFFFFFF60  }
0x99: {  	[tilespmem:s22], [sflag:$0x2] =	stream.indirect.gather [spmem:s2], $0x80, s21, s19, $0xb8;
	[tilespmem:$0x1E200] =	vst v63  }
0x9a: {  	_ =	swait.ge [sflag:s23], $0x5000  }
0x9b: {  	[sflag:s23] =	ssyncset.done $0x0  }
0x9c: {  	s31 =	sadd.s32 s28, s12;
	s28 =	smov.u32 s30;
	[sflag:s23] =	ssyncadd.s32 $0xFFFFB000  }
0x9d: {  	[hbm4b:s31+s3] =	stream.linear.scatter [tilespmem:s20], [sflag:$0x3], $0x5000, $0x38;
	[tilespmem:$0x1E200] =	vst v63  }
0x9e: {  	_ =	swait.ge [sflag:s18], $0x5000  }
0x9f: {  	[sflag:s18] =	ssyncset.done $0x0  }
0xa0: {  	[sflag:s18] =	ssyncadd.s32 $0xFFFFB000  }
0xa1: {  	[tilespmem:s3], [sflag:$0x3] =	stream.linear.gather [hbm4b:s26+s3], $0xA0, $0x38;
	[tilespmem:$0x1E200] =	vst v63  }
0xa2: {  	_ =	swait.ge [sflag:s18], $0xA0  }
0xa3: {  	[sflag:s18] =	ssyncset.done $0x0  }
0xa4: {  	[sflag:s18] =	ssyncadd.s32 $0xFFFFFF60  }
0xa5: {  	[tilespmem:s20], [sflag:$0x1] =	stream.indirect.gather [spmem:s2], $0x80, s3, s19, $0xb8;
	[tilespmem:$0x1E200] =	vst v63  }
0xa6: {  	_ =	swait.ge [sflag:s24], $0x5000  }
.Ltmp5:
0xa7: {  	[sflag:s24] =	ssyncset.done $0x0;
	(pc) =	sbr.rel @p1 .LBB2_3-.Ltmp5, $4  }
0xa8: {  	s30 =	sadd.s32 $0xA00, s31;
	[sflag:s24] =	ssyncadd.s32 $0xFFFFB000  }
0xa9: {  	[hbm4b:s30+s3] =	stream.linear.scatter [tilespmem:s22], [sflag:$0x3], $0x5000, $0x38;
	[tilespmem:$0x1E200] =	vst v63  }
0xaa: {  	_ =	swait.ge [sflag:s18], $0x5000  }
0xab: {  	s26 =	sadd.s32 $0x28, s26;
	[sflag:s18] =	ssyncset.done $0x0  }
0xac: {  	s29 =	sadd.s32 $0xFFFFFFEC, s26;
	[sflag:s18] =	ssyncadd.s32 $0xFFFFB000  }
0xad: {  	[tilespmem:s21], [sflag:$0x3] =	stream.linear.gather [hbm4b:s29+s3], $0xA0, $0x38;
	[tilespmem:$0x1E200] =	vst v63  }
0xae: {  	_ =	swait.ge [sflag:s18], $0xA0  }
0xaf: {  	[sflag:s18] =	ssyncset.done $0x0  }
0xb0: {  	[sflag:s18] =	ssyncadd.s32 $0xFFFFFF60  }
0xb1: {  	[tilespmem:s22], [sflag:$0x2] =	stream.indirect.gather [spmem:s2], $0x80, s21, s19, $0xb8;
	[tilespmem:$0x1E200] =	vst v63  }
0xb2: {  	_ =	swait.ge [sflag:s23], $0x5000  }
0xb3: {  	[sflag:s23] =	ssyncset.done $0x0  }
0xb4: {  	s28 =	sadd.s32 s28, s12;
	[sflag:s23] =	ssyncadd.s32 $0xFFFFB000  }
0xb5: {  	[hbm4b:s28+s3] =	stream.linear.scatter [tilespmem:s20], [sflag:$0x3], $0x5000, $0x38;
	[tilespmem:$0x1E200] =	vst v63  }
0xb6: {  	_ =	swait.ge [sflag:s18], $0x5000  }
0xb7: {  	[sflag:s18] =	ssyncset.done $0x0  }
0xb8: {  	[sflag:s18] =	ssyncadd.s32 $0xFFFFB000  }
0xb9: {  	[tilespmem:s3], [sflag:$0x3] =	stream.linear.gather [hbm4b:s26+s3], $0xA0, $0x38;
	[tilespmem:$0x1E200] =	vst v63  }
0xba: {  	_ =	swait.ge [sflag:s18], $0xA0  }
0xbb: {  	[sflag:s18] =	ssyncset.done $0x0  }
0xbc: {  	[sflag:s18] =	ssyncadd.s32 $0xFFFFFF60  }
0xbd: {  	[tilespmem:s20], [sflag:$0x1] =	stream.indirect.gather [spmem:s2], $0x80, s3, s19, $0xb8;
	[tilespmem:$0x1E200] =	vst v63  }
0xbe: {  	_ =	swait.ge [sflag:s24], $0x5000  }
0xbf: {  	[sflag:s24] =	ssyncset.done $0x0  }
.Ltmp6:
0xc0: {  	s31 =	sadd.s32 $0xA00, s28;
	[sflag:s24] =	ssyncadd.s32 $0xFFFFB000;
	(pc) =	sbr.rel .LBB2_8-.Ltmp6, $4  }
0xc1: {  	[hbm4b:s31+s3] =	stream.linear.scatter [tilespmem:s22], [sflag:$0x3], $0x5000, $0x38;
	[tilespmem:$0x1E200] =	vst v63  }
0xc2: {  	_ =	swait.ge [sflag:s18], $0x5000  }
0xc3: {  	[sflag:s18] =	ssyncset.done $0x0  }
0xc4: {  	s26 =	smov.u32 s5;
	[sflag:s18] =	ssyncadd.s32 $0xFFFFB000  }
.LBB2_9:
0xc5: {  	_ =	sfence.sel $0x180000  }
0xc6: {  	[bflag:$0x0] =	sbarrier.arrive $0xFFFF  }
0xc7: {  	p0 =	sne.s32 s1, $0x0;
	_ =	strace $0x90000047  }
0xc8: {  	s0 =	sadd.s32 @!p0 $0x100000, s0;
	[bflag:$0x2] =	sbarrier.arrive $0xFFFF  }
0xc9: {  	[sflag:s0] =	ssyncadd.tile.s32 @!p0 $0x1;
	_ =	shalt  }
.Lfunc_end2:
_tile_overlayer_lowered:
.L_overlay_start_2:
0xca: {  	(tag) =	ssettag $0x2  }
0xcb: {  	s0 =	rddreg [dreg:$0x0];
	s2 =	stileid.u32  }
0xcc: {  	s1 =	rddreg [dreg:$0x1];
	p0 =	sne.s32 s2, $0x0  }
0xcd: {  	s3 =	rddreg [dreg:$0x2];
	[bflag:$0x3] =	sbarrier.arrive $0xFFFF;
	s2 =	simm.s32 @!p0 $0x1C03  }
0xce: {  	[timem:s3], [sflag:s2] =	dma.local @!p0 [hbm:s0], s1  }
0xcf: {  	s0 =	simm.s32 @!p0 $0x3  }
0xd0: {  	_ =	swait.ge @!p0 [sflag:s0], s1  }
0xd1: {  	s1 =	ssub.s32 @!p0 $0x0, s1;
	[sflag:s0] =	ssyncset.done @!p0 $0x0  }
0xd2: {  	[sflag:s0] =	ssyncadd.s32 @!p0 s1  }
0xd3: {  	[bflag:$0x3] =	sbarrier.arrive $0xFFFF  }
0xd4: {  	_ =	shalt  }

</sc_bundles>
